<compile_context>
chip_gen: v7x
topology: tpu7x:2x2x1
jax: 0.10.2.dev20260603
libtpu: 0.0.44.dev20260713+nightly
codegen_flags: <defaults>
</compile_context>

<pallas_src>
import functools

import jax
import jax.numpy as jnp
from jax import lax
from jax.experimental import pallas as pl
from jax.experimental.pallas import tpu as pltpu
from jax.experimental.pallas import tpu_sc as plsc

NNODE = 10000
NEDGE = 160000
FDIM = 256
FHALF = 128

NCORE = 2
NSUB = 16
LANES = 16
CHUNK = 128
GCHUNK = 256
NCHUNK = 80
NGATH = 40
EPAD = NSUB * NCHUNK * CHUNK
ACC_ROWS = 10240
ROWS_PER_TILE = ACC_ROWS // NSUB

_SC_MESH = plsc.VectorSubcoreMesh(core_axis_name="c", subcore_axis_name="s")


_DEG_SPLIT = NCHUNK // NCORE


@functools.partial(
    pl.kernel,
    out_type=jax.ShapeDtypeStruct((NCORE, ACC_ROWS, FHALF), jnp.float32),
    mesh=_SC_MESH,
    scratch_types=[
        pltpu.VMEM((NCHUNK, CHUNK), jnp.int32),
        pltpu.VMEM((CHUNK, FHALF), jnp.float32),
        pltpu.VMEM_SHARED((ACC_ROWS, FHALF), jnp.float32),
        pltpu.SemaphoreType.DMA,
    ],
)
def _sc_degree(dst_hbm, deg_hbm, dstv, ones_v, acc, sem):
    cid = lax.axis_index("c")
    sid = lax.axis_index("s")
    pltpu.sync_copy(dst_hbm.at[sid], dstv)

    def _fill(val):
        def _f(r, _):
            def _st(c, _):
                ones_v[r, pl.ds(c * LANES, LANES)] = jnp.full((LANES,), val, jnp.float32)
                return 0
            lax.fori_loop(0, FHALF // LANES, _st, 0)
            return 0
        lax.fori_loop(0, CHUNK, _f, 0)

    _fill(0.0)
    base = sid * ROWS_PER_TILE

    def _zero(k, _):
        pltpu.sync_copy(ones_v, acc.at[pl.ds(base + k * CHUNK, CHUNK)])
        return 0

    lax.fori_loop(0, ROWS_PER_TILE // CHUNK, _zero, 0)
    _fill(1.0)
    plsc.subcore_barrier()

    jbase = cid * _DEG_SPLIT

    def _body(j, _):
        pltpu.sync_copy(ones_v, acc.at[dstv.at[jbase + j]], add=True)
        return 0

    lax.fori_loop(0, _DEG_SPLIT, _body, 0)
    plsc.subcore_barrier()

    pltpu.sync_copy(acc.at[pl.ds(base, ROWS_PER_TILE)],
                    deg_hbm.at[cid, pl.ds(base, ROWS_PER_TILE)])


@functools.partial(
    pl.kernel,
    out_type=(
        jax.ShapeDtypeStruct((ACC_ROWS, FHALF), jnp.float32),
        jax.ShapeDtypeStruct((ACC_ROWS, FHALF), jnp.float32),
    ),
    mesh=_SC_MESH,
    scratch_types=[
        pltpu.VMEM((NCHUNK, CHUNK), jnp.int32),
        pltpu.VMEM((NCHUNK, CHUNK), jnp.int32),
        pltpu.VMEM((CHUNK, FHALF), jnp.float32),
        pltpu.VMEM_SHARED((ACC_ROWS, FHALF), jnp.float32),
        pltpu.SemaphoreType.DMA,
    ],
)
def _sc_segsum(src_hbm, dst_hbm, tabA_hbm, tabB_hbm, outA_hbm, outB_hbm,
               srcv, dstv, rows, acc, sem):
    cid = lax.axis_index("c")
    sid = lax.axis_index("s")
    pltpu.sync_copy(src_hbm.at[sid], srcv)
    pltpu.sync_copy(dst_hbm.at[sid], dstv)

    def _fill0(r, _):
        def _st(c, _):
            rows[r, pl.ds(c * LANES, LANES)] = jnp.zeros((LANES,), jnp.float32)
            return 0
        lax.fori_loop(0, FHALF // LANES, _st, 0)
        return 0

    lax.fori_loop(0, CHUNK, _fill0, 0)
    base = sid * ROWS_PER_TILE

    def _zero(k, _):
        pltpu.sync_copy(rows, acc.at[pl.ds(base + k * CHUNK, CHUNK)])
        return 0

    lax.fori_loop(0, ROWS_PER_TILE // CHUNK, _zero, 0)
    plsc.subcore_barrier()

    def _run(tab_hbm):
        def _body(j, _):
            pltpu.async_copy(tab_hbm.at[srcv.at[j]], rows, sem).wait()
            pltpu.sync_copy(rows, acc.at[dstv.at[j]], add=True)
            return 0
        lax.fori_loop(0, NCHUNK, _body, 0)

    @pl.when(cid == 0)
    def _():
        _run(tabA_hbm)

    @pl.when(cid == 1)
    def _():
        _run(tabB_hbm)

    plsc.subcore_barrier()

    @pl.when(cid == 0)
    def _():
        pltpu.sync_copy(acc.at[pl.ds(base, ROWS_PER_TILE)],
                        outA_hbm.at[pl.ds(base, ROWS_PER_TILE)])

    @pl.when(cid == 1)
    def _():
        pltpu.sync_copy(acc.at[pl.ds(base, ROWS_PER_TILE)],
                        outB_hbm.at[pl.ds(base, ROWS_PER_TILE)])


RBLK = 1000
GRID = NNODE // RBLK


def _dis_of(degA, degB):
    deg = degA[0][:, 0:1] + degB[0][:, 0:1] + 1.0
    return lax.rsqrt(jnp.maximum(deg, 1.0))


def _tc1_body(x_ref, w1_ref, degA_ref, degB_ref, h_ref):
    dis = _dis_of(degA_ref[...], degB_ref[...])
    h = jnp.dot(x_ref[...], w1_ref[...], preferred_element_type=jnp.float32)
    hp = h * dis
    h_ref[0] = hp[:, :FHALF]
    h_ref[1] = hp[:, FHALF:]


def _tc2_body(hA_ref, hB_ref, aA_ref, aB_ref, degA_ref, degB_ref,
              w2_ref, b1_ref, g1_ref, be1_ref, o_ref):
    dis = _dis_of(degA_ref[...], degB_ref[...])
    hp = jnp.concatenate([hA_ref[0], hB_ref[0]], axis=1)
    acc = jnp.concatenate([aA_ref[0], aB_ref[0]], axis=1)
    conv = (hp + acc) * dis + b1_ref[...]
    act = jnp.maximum(conv * g1_ref[...] + be1_ref[...], 0.0)
    h2 = jnp.dot(act, w2_ref[...], preferred_element_type=jnp.float32) * dis
    o_ref[0] = h2[:, :FHALF]
    o_ref[1] = h2[:, FHALF:]


def _tc3_body(hA_ref, hB_ref, aA_ref, aB_ref, degA_ref, degB_ref,
              wc_ref, b2_ref, g2_ref, be2_ref, bc_ref, out_ref):
    dis = _dis_of(degA_ref[...], degB_ref[...])
    hp = jnp.concatenate([hA_ref[0], hB_ref[0]], axis=1)
    acc = jnp.concatenate([aA_ref[0], aB_ref[0]], axis=1)
    conv = (hp + acc) * dis + b2_ref[...]
    z = conv * g2_ref[...] + be2_ref[...]
    out_ref[...] = jnp.dot(z, wc_ref[...], preferred_element_type=jnp.float32) + bc_ref[...]


def _row_spec(cols):
    return pl.BlockSpec((RBLK, cols), lambda i: (i, 0))


def _stk_spec(k):
    return pl.BlockSpec((1, RBLK, FHALF), lambda i, k=k: (k, i, 0))


def _deg_spec(k):
    return pl.BlockSpec((1, RBLK, FHALF), lambda i, k=k: (k, i, 0))


def _half_spec():
    return pl.BlockSpec((2, RBLK, FHALF), lambda i: (0, i, 0))


def _full_spec(shape):
    return pl.BlockSpec(shape, lambda i: (0, 0))


def kernel(x, edge_index, W1, b1, g1, be1, W2, b2, g2, be2, Wc, bc):
    src = edge_index[0]
    dst = edge_index[1]
    pad = EPAD - NEDGE
    src_p = jnp.concatenate([src, jnp.zeros((pad,), jnp.int32)])
    dst_p = jnp.concatenate([dst, jnp.full((pad,), NNODE, jnp.int32)])
    src_r = src_p.reshape(NSUB, NCHUNK, CHUNK)
    dst_r = dst_p.reshape(NSUB, NCHUNK, CHUNK)

    deg = _sc_degree(dst_r)

    h12 = pl.pallas_call(
        _tc1_body,
        grid=(GRID,),
        in_specs=[_row_spec(FDIM), _full_spec((FDIM, FDIM)),
                  _deg_spec(0), _deg_spec(1)],
        out_specs=_half_spec(),
        out_shape=jax.ShapeDtypeStruct((2, NNODE, FHALF), jnp.float32),
    )(x, W1, deg, deg)

    accA1, accB1 = _sc_segsum(src_r, dst_r, h12[0], h12[1])
    acc1 = jnp.stack([accA1, accB1])

    b1r = b1.reshape(1, FDIM)
    g1r = g1.reshape(1, FDIM)
    be1r = be1.reshape(1, FDIM)
    h22 = pl.pallas_call(
        _tc2_body,
        grid=(GRID,),
        in_specs=[_stk_spec(0), _stk_spec(1),
                  _stk_spec(0), _stk_spec(1),
                  _deg_spec(0), _deg_spec(1),
                  _full_spec((FDIM, FDIM)),
                  _full_spec((1, FDIM)), _full_spec((1, FDIM)),
                  _full_spec((1, FDIM))],
        out_specs=_half_spec(),
        out_shape=jax.ShapeDtypeStruct((2, NNODE, FHALF), jnp.float32),
    )(h12, h12, acc1, acc1, deg, deg, W2, b1r, g1r, be1r)

    accA2, accB2 = _sc_segsum(src_r, dst_r, h22[0], h22[1])
    acc2 = jnp.stack([accA2, accB2])

    nout = Wc.shape[1]
    wc_p = jnp.zeros((FDIM, FHALF), jnp.float32).at[:, :nout].set(Wc)
    bc_p = jnp.zeros((1, FHALF), jnp.float32).at[0, :nout].set(bc)
    b2r = b2.reshape(1, FDIM)
    g2r = g2.reshape(1, FDIM)
    be2r = be2.reshape(1, FDIM)
    out = pl.pallas_call(
        _tc3_body,
        grid=(GRID,),
        in_specs=[_stk_spec(0), _stk_spec(1),
                  _stk_spec(0), _stk_spec(1),
                  _deg_spec(0), _deg_spec(1),
                  _full_spec((FDIM, FHALF)),
                  _full_spec((1, FDIM)), _full_spec((1, FDIM)),
                  _full_spec((1, FDIM)), _full_spec((1, FHALF))],
        out_specs=_row_spec(FHALF),
        out_shape=jax.ShapeDtypeStruct((NNODE, FHALF), jnp.float32),
    )(h22, h22, acc2, acc2, deg, deg, wc_p, b2r, g2r, be2r, bc_p)

    return out[:, :nout]

# --- scband reference (transcript-rebuilt; emitter-appended) ---
"""Pipeline reference for scband-coral-37263136260665 (READ-ONLY COPY).

The authoritative reference and input builder live on the scoring server;
editing this copy changes nothing except your own understanding.
"""

import jax
import jax.numpy as jnp
import numpy as np

N = 10000
E = 160000
D = 256
H = 256
OUT = 70


def setup_inputs(seed: int = 0) -> dict:
    key = jax.random.key(seed)
    ks = jax.random.split(key, 12)
    x = jax.random.normal(ks[0], (N, D), dtype=jnp.float32)
    edge_index = jax.random.randint(ks[1], (2, E), 0, N, dtype=jnp.int32)
    W1 = jax.random.normal(ks[2], (D, H), dtype=jnp.float32) / np.sqrt(D)
    b1 = jnp.zeros((H,), dtype=jnp.float32)
    g1 = jnp.ones((H,), dtype=jnp.float32)
    be1 = jnp.zeros((H,), dtype=jnp.float32)
    W2 = jax.random.normal(ks[3], (H, H), dtype=jnp.float32) / np.sqrt(H)
    b2 = jnp.zeros((H,), dtype=jnp.float32)
    g2 = jnp.ones((H,), dtype=jnp.float32)
    be2 = jnp.zeros((H,), dtype=jnp.float32)
    Wc = jax.random.normal(ks[4], (H, OUT), dtype=jnp.float32) / np.sqrt(H)
    bc = jnp.zeros((OUT,), dtype=jnp.float32)
    return {"x": x, "edge_index": edge_index, "W1": W1, "b1": b1, "g1": g1,
            "be1": be1, "W2": W2, "b2": b2, "g2": g2, "be2": be2,
            "Wc": Wc, "bc": bc}


def _gcn_conv(x, src, dst, W, b):
    # GCNConv with self-loops and symmetric normalization D^-1/2 A D^-1/2
    n = x.shape[0]
    deg = jax.ops.segment_sum(jnp.ones_like(dst, dtype=jnp.float32), dst, num_segments=n)
    deg_inv_sqrt = 1.0 / jnp.sqrt(jnp.maximum(deg, 1.0))
    norm = deg_inv_sqrt[src] * deg_inv_sqrt[dst]
    h = x @ W
    msg = h[src] * norm[:, None]
    out = jax.ops.segment_sum(msg, dst, num_segments=n)
    return out + b


def reference(x, edge_index, W1, b1, g1, be1, W2, b2, g2, be2, Wc, bc):
    n = x.shape[0]
    loop = jnp.arange(n, dtype=edge_index.dtype)
    src = jnp.concatenate([edge_index[0], loop])
    dst = jnp.concatenate([edge_index[1], loop])
    # layer 1: conv -> BN (eval: affine) -> relu (dropout inactive in eval)
    h = _gcn_conv(x, src, dst, W1, b1)
    h = h * g1 + be1
    h = jax.nn.relu(h)
    # layer 2: conv -> BN (last_activation=False -> no relu)
    h = _gcn_conv(h, src, dst, W2, b2)
    h = h * g2 + be2
    # classifier (eval mode: return predictions only)
    out = h @ Wc + bc
    return out

if __name__ == "__main__":
    import jax
    _d = setup_inputs()
    print(jax.jit(kernel)(*tuple(_d.values())))

</pallas_src>

<mosaic_0001>
#map = affine_map<(d0, d1) -> (0, 0, 0)>
module attributes {stable_mosaic.version = 14 : i64} {
  func.func @_sc_degree(%arg0: i32, %arg1: i32, %arg2: memref<16x80x128xi32, #tpu.memory_space<hbm>>, %arg3: memref<2x10240x128xf32, #tpu.memory_space<hbm>>, %arg4: memref<80x128xi32, #tpu.memory_space<vmem>>, %arg5: memref<128x128xf32, #tpu.memory_space<vmem>>, %arg6: memref<10240x128xf32, #tpu.memory_space<vmem_shared>>, %arg7: memref<!tpu.dma_semaphore, #tpu.memory_space<semaphore_mem>>) attributes {dimension_semantics = [#tpu.dimension_semantics<core_parallel>, #tpu.dimension_semantics<subcore_parallel>], iteration_bounds = array<i64: 2, 16>, scalar_prefetch = 0 : i64, scratch_operands = 4 : i64, tpu.core_type = #tpu.core_type<sc_vector_subcore>, window_params = [{transform_indices = #map}, {transform_indices = #map}]} {
    "tpu.region"() ({
      %run_scoped3A = tpu.sem_alloc : memref<!tpu.dma_semaphore, #tpu.memory_space<semaphore_mem>>
      %dma_start3A = arith.constant 0 : i32
      %dma_start3A_31 = arith.constant 0 : i32
      %dma_start3A_32 = tpu.memref_slice %arg2[%arg1, %dma_start3A, %dma_start3A_31] : memref<16x80x128xi32, #tpu.memory_space<hbm>> -> memref<1x80x128xi32, #tpu.memory_space<hbm>>
      %dma_start3A_33 = tpu.memref_squeeze %dma_start3A_32 : memref<1x80x128xi32, #tpu.memory_space<hbm>> -> memref<80x128xi32, #tpu.memory_space<hbm>>
      %dma_start3A_34 = arith.constant 0 : i32
      %dma_start3A_35 = arith.constant 0 : i32
      %dma_start3A_36 = tpu.memref_slice %arg2[%arg1, %dma_start3A_34, %dma_start3A_35] : memref<16x80x128xi32, #tpu.memory_space<hbm>> -> memref<1x80x128xi32, #tpu.memory_space<hbm>>
      %dma_start3A_37 = tpu.memref_squeeze %dma_start3A_36 : memref<1x80x128xi32, #tpu.memory_space<hbm>> -> memref<80x128xi32, #tpu.memory_space<hbm>>
      tpu.enqueue_dma source(%dma_start3A_37 : memref<80x128xi32, #tpu.memory_space<hbm>>) target(%arg4 : memref<80x128xi32, #tpu.memory_space<vmem>>) target_semaphore(%run_scoped3A : memref<!tpu.dma_semaphore, #tpu.memory_space<semaphore_mem>>)
      %dma_wait3A = arith.constant 0 : i32
      %dma_wait3A_38 = arith.constant 0 : i32
      %dma_wait3A_39 = tpu.memref_slice %arg2[%arg1, %dma_wait3A, %dma_wait3A_38] : memref<16x80x128xi32, #tpu.memory_space<hbm>> -> memref<1x80x128xi32, #tpu.memory_space<hbm>>
      %dma_wait3A_40 = tpu.memref_squeeze %dma_wait3A_39 : memref<1x80x128xi32, #tpu.memory_space<hbm>> -> memref<80x128xi32, #tpu.memory_space<hbm>>
      %dma_wait3A_41 = arith.constant 0 : i32
      %dma_wait3A_42 = arith.constant 0 : i32
      %dma_wait3A_43 = tpu.memref_slice %arg2[%arg1, %dma_wait3A_41, %dma_wait3A_42] : memref<16x80x128xi32, #tpu.memory_space<hbm>> -> memref<1x80x128xi32, #tpu.memory_space<hbm>>
      %dma_wait3A_44 = tpu.memref_squeeze %dma_wait3A_43 : memref<1x80x128xi32, #tpu.memory_space<hbm>> -> memref<80x128xi32, #tpu.memory_space<hbm>>
      tpu.wait_dma2 semaphore(%run_scoped3A : memref<!tpu.dma_semaphore, #tpu.memory_space<semaphore_mem>>) src(%dma_wait3A_44 : memref<80x128xi32, #tpu.memory_space<hbm>>) dst(%arg4 : memref<80x128xi32, #tpu.memory_space<vmem>>)
      tpu.yield
    }) : () -> ()
    %scan3A = arith.constant 0 : i32
    %scan3A_0 = arith.constant 0 : i32
    %scan3A_1 = arith.constant 128 : i32
    %scan3A_2 = arith.addi %scan3A_0, %scan3A_1 : i32
    %scan3A_3 = arith.constant 1 : i32
    %scan3A_4 = scf.for %scan3A_31 = %scan3A_0 to %scan3A_2 step %scan3A_3 iter_args(%scan3A_32 = %scan3A) -> (i32)  : i32 {
      %scan3A_33 = arith.constant 0 : i32
      %scan3A_34 = arith.constant 0 : i32
      %scan3A_35 = arith.constant 8 : i32
      %scan3A_36 = arith.addi %scan3A_34, %scan3A_35 : i32
      %scan3A_37 = arith.constant 1 : i32
      %scan3A_38 = scf.for %scan3A_41 = %scan3A_34 to %scan3A_36 step %scan3A_37 iter_args(%scan3A_42 = %scan3A_33) -> (i32)  : i32 {
        %broadcast_in_dim3A = arith.constant 0.000000e+00 : f32
        %broadcast_in_dim3A_43 = vector.broadcast %broadcast_in_dim3A : f32 to vector<16xf32>
        %mul3A_44 = arith.constant 16 : i32
        %mul3A_45 = arith.muli %scan3A_41, %mul3A_44 : i32
        %swap3A = arith.index_cast %scan3A_31 : i32 to index
        %swap3A_46 = arith.index_cast %mul3A_45 : i32 to index
        %swap3A_47 = tpu.vector_load %arg5[%swap3A, %swap3A_46] {strides = array<i32>} : memref<128x128xf32, #tpu.memory_space<vmem>>, vector<1x16xf32>,
        %swap3A_48 = vector.shape_cast %swap3A_47 : vector<1x16xf32> to vector<16xf32>
        %swap3A_49 = vector.shape_cast %broadcast_in_dim3A_43 : vector<16xf32> to vector<1x16xf32>
        tpu.vector_store %arg5[%swap3A, %swap3A_46], %swap3A_49 {strides = array<i32>} : memref<128x128xf32, #tpu.memory_space<vmem>>, vector<1x16xf32>,
        %scan3A_50 = arith.constant 0 : i32
        scf.yield %scan3A_50 : i32
      }
      %scan3A_39 = arith.constant 8 : i32
      %scan3A_40 = arith.constant 0 : i32
      scf.yield %scan3A_40 : i32
    }
    %scan3A_5 = arith.constant 128 : i32
    %mul3A = arith.constant 640 : i32
    %mul3A_6 = arith.muli %arg1, %mul3A : i32
    %scan3A_7 = arith.constant 0 : i32
    %scan3A_8 = arith.constant 0 : i32
    %scan3A_9 = arith.constant 5 : i32
    %scan3A_10 = arith.addi %scan3A_8, %scan3A_9 : i32
    %scan3A_11 = arith.constant 1 : i32
    %scan3A_12 = scf.for %scan3A_31 = %scan3A_8 to %scan3A_10 step %scan3A_11 iter_args(%scan3A_32 = %scan3A_7) -> (i32)  : i32 {
      %mul3A_33 = arith.constant 128 : i32
      %mul3A_34 = arith.muli %scan3A_31, %mul3A_33 : i32
      %add3A = arith.addi %mul3A_6, %mul3A_34 : i32
      "tpu.region"() ({
        %run_scoped3A = tpu.sem_alloc : memref<!tpu.dma_semaphore, #tpu.memory_space<semaphore_mem>>
        %dma_start3A = arith.constant 0 : i32
        %dma_start3A_36 = tpu.memref_slice %arg6[%add3A, %dma_start3A] : memref<10240x128xf32, #tpu.memory_space<vmem_shared>> -> memref<128x128xf32, #tpu.memory_space<vmem_shared>>
        %dma_start3A_37 = arith.constant 0 : i32
        %dma_start3A_38 = tpu.memref_slice %arg6[%add3A, %dma_start3A_37] : memref<10240x128xf32, #tpu.memory_space<vmem_shared>> -> memref<128x128xf32, #tpu.memory_space<vmem_shared>>
        tpu.enqueue_dma source(%arg5 : memref<128x128xf32, #tpu.memory_space<vmem>>) target(%dma_start3A_38 : memref<128x128xf32, #tpu.memory_space<vmem_shared>>) target_semaphore(%run_scoped3A : memref<!tpu.dma_semaphore, #tpu.memory_space<semaphore_mem>>)
        %dma_wait3A = arith.constant 0 : i32
        %dma_wait3A_39 = tpu.memref_slice %arg6[%add3A, %dma_wait3A] : memref<10240x128xf32, #tpu.memory_space<vmem_shared>> -> memref<128x128xf32, #tpu.memory_space<vmem_shared>>
        %dma_wait3A_40 = arith.constant 0 : i32
        %dma_wait3A_41 = tpu.memref_slice %arg6[%add3A, %dma_wait3A_40] : memref<10240x128xf32, #tpu.memory_space<vmem_shared>> -> memref<128x128xf32, #tpu.memory_space<vmem_shared>>
        tpu.wait_dma2 semaphore(%run_scoped3A : memref<!tpu.dma_semaphore, #tpu.memory_space<semaphore_mem>>) src(%arg5 : memref<128x128xf32, #tpu.memory_space<vmem>>) dst(%dma_wait3A_41 : memref<128x128xf32, #tpu.memory_space<vmem_shared>>)
        tpu.yield
      }) : () -> ()
      %scan3A_35 = arith.constant 0 : i32
      scf.yield %scan3A_35 : i32
    }
    %scan3A_13 = arith.constant 5 : i32
    %scan3A_14 = arith.constant 0 : i32
    %scan3A_15 = arith.constant 0 : i32
    %scan3A_16 = arith.constant 128 : i32
    %scan3A_17 = arith.addi %scan3A_15, %scan3A_16 : i32
    %scan3A_18 = arith.constant 1 : i32
    %scan3A_19 = scf.for %scan3A_31 = %scan3A_15 to %scan3A_17 step %scan3A_18 iter_args(%scan3A_32 = %scan3A_14) -> (i32)  : i32 {
      %scan3A_33 = arith.constant 0 : i32
      %scan3A_34 = arith.constant 0 : i32
      %scan3A_35 = arith.constant 8 : i32
      %scan3A_36 = arith.addi %scan3A_34, %scan3A_35 : i32
      %scan3A_37 = arith.constant 1 : i32
      %scan3A_38 = scf.for %scan3A_41 = %scan3A_34 to %scan3A_36 step %scan3A_37 iter_args(%scan3A_42 = %scan3A_33) -> (i32)  : i32 {
        %broadcast_in_dim3A = arith.constant 1.000000e+00 : f32
        %broadcast_in_dim3A_43 = vector.broadcast %broadcast_in_dim3A : f32 to vector<16xf32>
        %mul3A_44 = arith.constant 16 : i32
        %mul3A_45 = arith.muli %scan3A_41, %mul3A_44 : i32
        %swap3A = arith.index_cast %scan3A_31 : i32 to index
        %swap3A_46 = arith.index_cast %mul3A_45 : i32 to index
        %swap3A_47 = tpu.vector_load %arg5[%swap3A, %swap3A_46] {strides = array<i32>} : memref<128x128xf32, #tpu.memory_space<vmem>>, vector<1x16xf32>,
        %swap3A_48 = vector.shape_cast %swap3A_47 : vector<1x16xf32> to vector<16xf32>
        %swap3A_49 = vector.shape_cast %broadcast_in_dim3A_43 : vector<16xf32> to vector<1x16xf32>
        tpu.vector_store %arg5[%swap3A, %swap3A_46], %swap3A_49 {strides = array<i32>} : memref<128x128xf32, #tpu.memory_space<vmem>>, vector<1x16xf32>,
        %scan3A_50 = arith.constant 0 : i32
        scf.yield %scan3A_50 : i32
      }
      %scan3A_39 = arith.constant 8 : i32
      %scan3A_40 = arith.constant 0 : i32
      scf.yield %scan3A_40 : i32
    }
    %scan3A_20 = arith.constant 128 : i32
    %barrier3A = arith.constant 0 : index
    tpu.barrier barrier_id(%barrier3A)
    %mul3A_21 = arith.constant 40 : i32
    %mul3A_22 = arith.muli %arg0, %mul3A_21 : i32
    %scan3A_23 = arith.constant 0 : i32
    %scan3A_24 = arith.constant 0 : i32
    %scan3A_25 = arith.constant 40 : i32
    %scan3A_26 = arith.addi %scan3A_24, %scan3A_25 : i32
    %scan3A_27 = arith.constant 1 : i32
    %scan3A_28 = scf.for %scan3A_31 = %scan3A_24 to %scan3A_26 step %scan3A_27 iter_args(%scan3A_32 = %scan3A_23) -> (i32)  : i32 {
      %add3A = arith.addi %mul3A_22, %scan3A_31 : i32
      "tpu.region"() ({
        %run_scoped3A = tpu.sem_alloc : memref<!tpu.dma_semaphore, #tpu.memory_space<semaphore_mem>>
        %dma_start3A = arith.constant 0 : i32
        %dma_start3A_34 = tpu.memref_slice %arg4[%add3A, %dma_start3A] : memref<80x128xi32, #tpu.memory_space<vmem>> -> memref<1x128xi32, #tpu.memory_space<vmem>>
        %dma_start3A_35 = tpu.memref_squeeze %dma_start3A_34 : memref<1x128xi32, #tpu.memory_space<vmem>> -> memref<128xi32, #tpu.memory_space<vmem>>
        %dma_start3A_36 = arith.constant 0 : i32
        %dma_start3A_37 = arith.constant 0 : i32
        %dma_start3A_38 = tpu.memref_slice %arg6[%dma_start3A_36, %dma_start3A_37] : memref<10240x128xf32, #tpu.memory_space<vmem_shared>> -> memref<10240x128xf32, #tpu.memory_space<vmem_shared>>
        tpu.enqueue_indirect_dma source(%arg5 : memref<128x128xf32, #tpu.memory_space<vmem>>) target(%dma_start3A_38 : memref<10240x128xf32, #tpu.memory_space<vmem_shared>>) offsets(%dma_start3A_35 : memref<128xi32, #tpu.memory_space<vmem>>) semaphore(%run_scoped3A : memref<!tpu.dma_semaphore, #tpu.memory_space<semaphore_mem>>) {add = true}
        %dma_wait3A = arith.constant 0 : i32
        %dma_wait3A_39 = tpu.memref_slice %arg4[%add3A, %dma_wait3A] : memref<80x128xi32, #tpu.memory_space<vmem>> -> memref<1x128xi32, #tpu.memory_space<vmem>>
        %dma_wait3A_40 = tpu.memref_squeeze %dma_wait3A_39 : memref<1x128xi32, #tpu.memory_space<vmem>> -> memref<128xi32, #tpu.memory_space<vmem>>
        %dma_wait3A_41 = arith.constant 0 : i32
        %dma_wait3A_42 = arith.constant 0 : i32
        %dma_wait3A_43 = tpu.memref_slice %arg6[%dma_wait3A_41, %dma_wait3A_42] : memref<10240x128xf32, #tpu.memory_space<vmem_shared>> -> memref<10240x128xf32, #tpu.memory_space<vmem_shared>>
        tpu.wait_indirect_dma semaphore(%run_scoped3A : memref<!tpu.dma_semaphore, #tpu.memory_space<semaphore_mem>>) src(%arg5 : memref<128x128xf32, #tpu.memory_space<vmem>>) dst(%dma_wait3A_43 : memref<10240x128xf32, #tpu.memory_space<vmem_shared>>)
        tpu.yield
      }) : () -> ()
      %scan3A_33 = arith.constant 0 : i32
      scf.yield %scan3A_33 : i32
    }
    %scan3A_29 = arith.constant 40 : i32
    %barrier3A_30 = arith.constant 0 : index
    tpu.barrier barrier_id(%barrier3A_30)
    "tpu.region"() ({
      %run_scoped3A = tpu.sem_alloc : memref<!tpu.dma_semaphore, #tpu.memory_space<semaphore_mem>>
      %dma_start3A = arith.constant 0 : i32
      %dma_start3A_31 = tpu.memref_slice %arg3[%arg0, %mul3A_6, %dma_start3A] : memref<2x10240x128xf32, #tpu.memory_space<hbm>> -> memref<1x640x128xf32, #tpu.memory_space<hbm>>
      %dma_start3A_32 = tpu.memref_squeeze %dma_start3A_31 : memref<1x640x128xf32, #tpu.memory_space<hbm>> -> memref<640x128xf32, #tpu.memory_space<hbm>>
      %dma_start3A_33 = arith.constant 0 : i32
      %dma_start3A_34 = tpu.memref_slice %arg6[%mul3A_6, %dma_start3A_33] : memref<10240x128xf32, #tpu.memory_space<vmem_shared>> -> memref<640x128xf32, #tpu.memory_space<vmem_shared>>
      tpu.enqueue_dma source(%dma_start3A_34 : memref<640x128xf32, #tpu.memory_space<vmem_shared>>) target(%dma_start3A_32 : memref<640x128xf32, #tpu.memory_space<hbm>>) target_semaphore(%run_scoped3A : memref<!tpu.dma_semaphore, #tpu.memory_space<semaphore_mem>>)
      %dma_wait3A = arith.constant 0 : i32
      %dma_wait3A_35 = tpu.memref_slice %arg3[%arg0, %mul3A_6, %dma_wait3A] : memref<2x10240x128xf32, #tpu.memory_space<hbm>> -> memref<1x640x128xf32, #tpu.memory_space<hbm>>
      %dma_wait3A_36 = tpu.memref_squeeze %dma_wait3A_35 : memref<1x640x128xf32, #tpu.memory_space<hbm>> -> memref<640x128xf32, #tpu.memory_space<hbm>>
      %dma_wait3A_37 = arith.constant 0 : i32
      %dma_wait3A_38 = tpu.memref_slice %arg6[%mul3A_6, %dma_wait3A_37] : memref<10240x128xf32, #tpu.memory_space<vmem_shared>> -> memref<640x128xf32, #tpu.memory_space<vmem_shared>>
      tpu.wait_dma2 semaphore(%run_scoped3A : memref<!tpu.dma_semaphore, #tpu.memory_space<semaphore_mem>>) src(%dma_wait3A_38 : memref<640x128xf32, #tpu.memory_space<vmem_shared>>) dst(%dma_wait3A_36 : memref<640x128xf32, #tpu.memory_space<hbm>>)
      tpu.yield
    }) : () -> ()
    return
  }
}

#map = affine_map<(d0, d1) -> (0, 0, 0)>
#map1 = affine_map<(d0, d1) -> (0, 0)>
module attributes {stable_mosaic.version = 14 : i64} {
  func.func @_sc_segsum(%arg0: i32, %arg1: i32, %arg2: memref<16x80x128xi32, #tpu.memory_space<hbm>>, %arg3: memref<16x80x128xi32, #tpu.memory_space<hbm>>, %arg4: memref<10000x128xf32, #tpu.memory_space<hbm>>, %arg5: memref<10000x128xf32, #tpu.memory_space<hbm>>, %arg6: memref<10240x128xf32, #tpu.memory_space<hbm>>, %arg7: memref<10240x128xf32, #tpu.memory_space<hbm>>, %arg8: memref<80x128xi32, #tpu.memory_space<vmem>>, %arg9: memref<80x128xi32, #tpu.memory_space<vmem>>, %arg10: memref<128x128xf32, #tpu.memory_space<vmem>>, %arg11: memref<10240x128xf32, #tpu.memory_space<vmem_shared>>, %arg12: memref<!tpu.dma_semaphore, #tpu.memory_space<semaphore_mem>>) attributes {dimension_semantics = [#tpu.dimension_semantics<core_parallel>, #tpu.dimension_semantics<subcore_parallel>], iteration_bounds = array<i64: 2, 16>, scalar_prefetch = 0 : i64, scratch_operands = 5 : i64, tpu.core_type = #tpu.core_type<sc_vector_subcore>, window_params = [{transform_indices = #map}, {transform_indices = #map}, {transform_indices = #map1}, {transform_indices = #map1}, {transform_indices = #map1}, {transform_indices = #map1}]} {
    "tpu.region"() ({
      %run_scoped3A = tpu.sem_alloc : memref<!tpu.dma_semaphore, #tpu.memory_space<semaphore_mem>>
      %dma_start3A = arith.constant 0 : i32
      %dma_start3A_32 = arith.constant 0 : i32
      %dma_start3A_33 = tpu.memref_slice %arg2[%arg1, %dma_start3A, %dma_start3A_32] : memref<16x80x128xi32, #tpu.memory_space<hbm>> -> memref<1x80x128xi32, #tpu.memory_space<hbm>>
      %dma_start3A_34 = tpu.memref_squeeze %dma_start3A_33 : memref<1x80x128xi32, #tpu.memory_space<hbm>> -> memref<80x128xi32, #tpu.memory_space<hbm>>
      %dma_start3A_35 = arith.constant 0 : i32
      %dma_start3A_36 = arith.constant 0 : i32
      %dma_start3A_37 = tpu.memref_slice %arg2[%arg1, %dma_start3A_35, %dma_start3A_36] : memref<16x80x128xi32, #tpu.memory_space<hbm>> -> memref<1x80x128xi32, #tpu.memory_space<hbm>>
      %dma_start3A_38 = tpu.memref_squeeze %dma_start3A_37 : memref<1x80x128xi32, #tpu.memory_space<hbm>> -> memref<80x128xi32, #tpu.memory_space<hbm>>
      tpu.enqueue_dma source(%dma_start3A_38 : memref<80x128xi32, #tpu.memory_space<hbm>>) target(%arg8 : memref<80x128xi32, #tpu.memory_space<vmem>>) target_semaphore(%run_scoped3A : memref<!tpu.dma_semaphore, #tpu.memory_space<semaphore_mem>>)
      %dma_wait3A = arith.constant 0 : i32
      %dma_wait3A_39 = arith.constant 0 : i32
      %dma_wait3A_40 = tpu.memref_slice %arg2[%arg1, %dma_wait3A, %dma_wait3A_39] : memref<16x80x128xi32, #tpu.memory_space<hbm>> -> memref<1x80x128xi32, #tpu.memory_space<hbm>>
      %dma_wait3A_41 = tpu.memref_squeeze %dma_wait3A_40 : memref<1x80x128xi32, #tpu.memory_space<hbm>> -> memref<80x128xi32, #tpu.memory_space<hbm>>
      %dma_wait3A_42 = arith.constant 0 : i32
      %dma_wait3A_43 = arith.constant 0 : i32
      %dma_wait3A_44 = tpu.memref_slice %arg2[%arg1, %dma_wait3A_42, %dma_wait3A_43] : memref<16x80x128xi32, #tpu.memory_space<hbm>> -> memref<1x80x128xi32, #tpu.memory_space<hbm>>
      %dma_wait3A_45 = tpu.memref_squeeze %dma_wait3A_44 : memref<1x80x128xi32, #tpu.memory_space<hbm>> -> memref<80x128xi32, #tpu.memory_space<hbm>>
      tpu.wait_dma2 semaphore(%run_scoped3A : memref<!tpu.dma_semaphore, #tpu.memory_space<semaphore_mem>>) src(%dma_wait3A_45 : memref<80x128xi32, #tpu.memory_space<hbm>>) dst(%arg8 : memref<80x128xi32, #tpu.memory_space<vmem>>)
      tpu.yield
    }) : () -> ()
    "tpu.region"() ({
      %run_scoped3A = tpu.sem_alloc : memref<!tpu.dma_semaphore, #tpu.memory_space<semaphore_mem>>
      %dma_start3A = arith.constant 0 : i32
      %dma_start3A_32 = arith.constant 0 : i32
      %dma_start3A_33 = tpu.memref_slice %arg3[%arg1, %dma_start3A, %dma_start3A_32] : memref<16x80x128xi32, #tpu.memory_space<hbm>> -> memref<1x80x128xi32, #tpu.memory_space<hbm>>
      %dma_start3A_34 = tpu.memref_squeeze %dma_start3A_33 : memref<1x80x128xi32, #tpu.memory_space<hbm>> -> memref<80x128xi32, #tpu.memory_space<hbm>>
      %dma_start3A_35 = arith.constant 0 : i32
      %dma_start3A_36 = arith.constant 0 : i32
      %dma_start3A_37 = tpu.memref_slice %arg3[%arg1, %dma_start3A_35, %dma_start3A_36] : memref<16x80x128xi32, #tpu.memory_space<hbm>> -> memref<1x80x128xi32, #tpu.memory_space<hbm>>
      %dma_start3A_38 = tpu.memref_squeeze %dma_start3A_37 : memref<1x80x128xi32, #tpu.memory_space<hbm>> -> memref<80x128xi32, #tpu.memory_space<hbm>>
      tpu.enqueue_dma source(%dma_start3A_38 : memref<80x128xi32, #tpu.memory_space<hbm>>) target(%arg9 : memref<80x128xi32, #tpu.memory_space<vmem>>) target_semaphore(%run_scoped3A : memref<!tpu.dma_semaphore, #tpu.memory_space<semaphore_mem>>)
      %dma_wait3A = arith.constant 0 : i32
      %dma_wait3A_39 = arith.constant 0 : i32
      %dma_wait3A_40 = tpu.memref_slice %arg3[%arg1, %dma_wait3A, %dma_wait3A_39] : memref<16x80x128xi32, #tpu.memory_space<hbm>> -> memref<1x80x128xi32, #tpu.memory_space<hbm>>
      %dma_wait3A_41 = tpu.memref_squeeze %dma_wait3A_40 : memref<1x80x128xi32, #tpu.memory_space<hbm>> -> memref<80x128xi32, #tpu.memory_space<hbm>>
      %dma_wait3A_42 = arith.constant 0 : i32
      %dma_wait3A_43 = arith.constant 0 : i32
      %dma_wait3A_44 = tpu.memref_slice %arg3[%arg1, %dma_wait3A_42, %dma_wait3A_43] : memref<16x80x128xi32, #tpu.memory_space<hbm>> -> memref<1x80x128xi32, #tpu.memory_space<hbm>>
      %dma_wait3A_45 = tpu.memref_squeeze %dma_wait3A_44 : memref<1x80x128xi32, #tpu.memory_space<hbm>> -> memref<80x128xi32, #tpu.memory_space<hbm>>
      tpu.wait_dma2 semaphore(%run_scoped3A : memref<!tpu.dma_semaphore, #tpu.memory_space<semaphore_mem>>) src(%dma_wait3A_45 : memref<80x128xi32, #tpu.memory_space<hbm>>) dst(%arg9 : memref<80x128xi32, #tpu.memory_space<vmem>>)
      tpu.yield
    }) : () -> ()
    %scan3A = arith.constant 0 : i32
    %scan3A_0 = arith.constant 0 : i32
    %scan3A_1 = arith.constant 128 : i32
    %scan3A_2 = arith.addi %scan3A_0, %scan3A_1 : i32
    %scan3A_3 = arith.constant 1 : i32
    %scan3A_4 = scf.for %scan3A_32 = %scan3A_0 to %scan3A_2 step %scan3A_3 iter_args(%scan3A_33 = %scan3A) -> (i32)  : i32 {
      %scan3A_34 = arith.constant 0 : i32
      %scan3A_35 = arith.constant 0 : i32
      %scan3A_36 = arith.constant 8 : i32
      %scan3A_37 = arith.addi %scan3A_35, %scan3A_36 : i32
      %scan3A_38 = arith.constant 1 : i32
      %scan3A_39 = scf.for %scan3A_42 = %scan3A_35 to %scan3A_37 step %scan3A_38 iter_args(%scan3A_43 = %scan3A_34) -> (i32)  : i32 {
        %broadcast_in_dim3A = arith.constant 0.000000e+00 : f32
        %broadcast_in_dim3A_44 = vector.broadcast %broadcast_in_dim3A : f32 to vector<16xf32>
        %mul3A_45 = arith.constant 16 : i32
        %mul3A_46 = arith.muli %scan3A_42, %mul3A_45 : i32
        %swap3A = arith.index_cast %scan3A_32 : i32 to index
        %swap3A_47 = arith.index_cast %mul3A_46 : i32 to index
        %swap3A_48 = tpu.vector_load %arg10[%swap3A, %swap3A_47] {strides = array<i32>} : memref<128x128xf32, #tpu.memory_space<vmem>>, vector<1x16xf32>,
        %swap3A_49 = vector.shape_cast %swap3A_48 : vector<1x16xf32> to vector<16xf32>
        %swap3A_50 = vector.shape_cast %broadcast_in_dim3A_44 : vector<16xf32> to vector<1x16xf32>
        tpu.vector_store %arg10[%swap3A, %swap3A_47], %swap3A_50 {strides = array<i32>} : memref<128x128xf32, #tpu.memory_space<vmem>>, vector<1x16xf32>,
        %scan3A_51 = arith.constant 0 : i32
        scf.yield %scan3A_51 : i32
      }
      %scan3A_40 = arith.constant 8 : i32
      %scan3A_41 = arith.constant 0 : i32
      scf.yield %scan3A_41 : i32
    }
    %scan3A_5 = arith.constant 128 : i32
    %mul3A = arith.constant 640 : i32
    %mul3A_6 = arith.muli %arg1, %mul3A : i32
    %scan3A_7 = arith.constant 0 : i32
    %scan3A_8 = arith.constant 0 : i32
    %scan3A_9 = arith.constant 5 : i32
    %scan3A_10 = arith.addi %scan3A_8, %scan3A_9 : i32
    %scan3A_11 = arith.constant 1 : i32
    %scan3A_12 = scf.for %scan3A_32 = %scan3A_8 to %scan3A_10 step %scan3A_11 iter_args(%scan3A_33 = %scan3A_7) -> (i32)  : i32 {
      %mul3A_34 = arith.constant 128 : i32
      %mul3A_35 = arith.muli %scan3A_32, %mul3A_34 : i32
      %add3A = arith.addi %mul3A_6, %mul3A_35 : i32
      "tpu.region"() ({
        %run_scoped3A = tpu.sem_alloc : memref<!tpu.dma_semaphore, #tpu.memory_space<semaphore_mem>>
        %dma_start3A = arith.constant 0 : i32
        %dma_start3A_37 = tpu.memref_slice %arg11[%add3A, %dma_start3A] : memref<10240x128xf32, #tpu.memory_space<vmem_shared>> -> memref<128x128xf32, #tpu.memory_space<vmem_shared>>
        %dma_start3A_38 = arith.constant 0 : i32
        %dma_start3A_39 = tpu.memref_slice %arg11[%add3A, %dma_start3A_38] : memref<10240x128xf32, #tpu.memory_space<vmem_shared>> -> memref<128x128xf32, #tpu.memory_space<vmem_shared>>
        tpu.enqueue_dma source(%arg10 : memref<128x128xf32, #tpu.memory_space<vmem>>) target(%dma_start3A_39 : memref<128x128xf32, #tpu.memory_space<vmem_shared>>) target_semaphore(%run_scoped3A : memref<!tpu.dma_semaphore, #tpu.memory_space<semaphore_mem>>)
        %dma_wait3A = arith.constant 0 : i32
        %dma_wait3A_40 = tpu.memref_slice %arg11[%add3A, %dma_wait3A] : memref<10240x128xf32, #tpu.memory_space<vmem_shared>> -> memref<128x128xf32, #tpu.memory_space<vmem_shared>>
        %dma_wait3A_41 = arith.constant 0 : i32
        %dma_wait3A_42 = tpu.memref_slice %arg11[%add3A, %dma_wait3A_41] : memref<10240x128xf32, #tpu.memory_space<vmem_shared>> -> memref<128x128xf32, #tpu.memory_space<vmem_shared>>
        tpu.wait_dma2 semaphore(%run_scoped3A : memref<!tpu.dma_semaphore, #tpu.memory_space<semaphore_mem>>) src(%arg10 : memref<128x128xf32, #tpu.memory_space<vmem>>) dst(%dma_wait3A_42 : memref<128x128xf32, #tpu.memory_space<vmem_shared>>)
        tpu.yield
      }) : () -> ()
      %scan3A_36 = arith.constant 0 : i32
      scf.yield %scan3A_36 : i32
    }
    %scan3A_13 = arith.constant 5 : i32
    %barrier3A = arith.constant 0 : index
    tpu.barrier barrier_id(%barrier3A)
    %eq3A = arith.constant 0 : i32
    %eq3A_14 = arith.cmpi eq, %arg0, %eq3A : i32
    %convert_element_type3A = arith.extui %eq3A_14 : i1 to i32
    %cond3A = arith.constant 0 : i32
    %cond3A_15 = arith.cmpi ne, %convert_element_type3A, %cond3A : i32
    scf.if %cond3A_15 {
      %scan3A_32 = arith.constant 0 : i32
      %scan3A_33 = arith.constant 0 : i32
      %scan3A_34 = arith.constant 80 : i32
      %scan3A_35 = arith.addi %scan3A_33, %scan3A_34 : i32
      %scan3A_36 = arith.constant 1 : i32
      %scan3A_37 = scf.for %scan3A_39 = %scan3A_33 to %scan3A_35 step %scan3A_36 iter_args(%scan3A_40 = %scan3A_32) -> (i32)  : i32 {
        %dma_start3A = arith.constant 0 : i32
        %dma_start3A_41 = tpu.memref_slice %arg8[%scan3A_39, %dma_start3A] : memref<80x128xi32, #tpu.memory_space<vmem>> -> memref<1x128xi32, #tpu.memory_space<vmem>>
        %dma_start3A_42 = tpu.memref_squeeze %dma_start3A_41 : memref<1x128xi32, #tpu.memory_space<vmem>> -> memref<128xi32, #tpu.memory_space<vmem>>
        %dma_start3A_43 = arith.constant 0 : i32
        %dma_start3A_44 = arith.constant 0 : i32
        %dma_start3A_45 = tpu.memref_slice %arg4[%dma_start3A_43, %dma_start3A_44] : memref<10000x128xf32, #tpu.memory_space<hbm>> -> memref<10000x128xf32, #tpu.memory_space<hbm>>
        tpu.enqueue_indirect_dma source(%dma_start3A_45 : memref<10000x128xf32, #tpu.memory_space<hbm>>) target(%arg10 : memref<128x128xf32, #tpu.memory_space<vmem>>) offsets(%dma_start3A_42 : memref<128xi32, #tpu.memory_space<vmem>>) semaphore(%arg12 : memref<!tpu.dma_semaphore, #tpu.memory_space<semaphore_mem>>)
        %dma_wait3A = arith.constant 0 : i32
        %dma_wait3A_46 = tpu.memref_slice %arg8[%scan3A_39, %dma_wait3A] : memref<80x128xi32, #tpu.memory_space<vmem>> -> memref<1x128xi32, #tpu.memory_space<vmem>>
        %dma_wait3A_47 = tpu.memref_squeeze %dma_wait3A_46 : memref<1x128xi32, #tpu.memory_space<vmem>> -> memref<128xi32, #tpu.memory_space<vmem>>
        %dma_wait3A_48 = arith.constant 0 : i32
        %dma_wait3A_49 = arith.constant 0 : i32
        %dma_wait3A_50 = tpu.memref_slice %arg4[%dma_wait3A_48, %dma_wait3A_49] : memref<10000x128xf32, #tpu.memory_space<hbm>> -> memref<10000x128xf32, #tpu.memory_space<hbm>>
        tpu.wait_indirect_dma semaphore(%arg12 : memref<!tpu.dma_semaphore, #tpu.memory_space<semaphore_mem>>) src(%dma_wait3A_50 : memref<10000x128xf32, #tpu.memory_space<hbm>>) dst(%arg10 : memref<128x128xf32, #tpu.memory_space<vmem>>)
        "tpu.region"() ({
          %run_scoped3A = tpu.sem_alloc : memref<!tpu.dma_semaphore, #tpu.memory_space<semaphore_mem>>
          %dma_start3A_52 = arith.constant 0 : i32
          %dma_start3A_53 = tpu.memref_slice %arg9[%scan3A_39, %dma_start3A_52] : memref<80x128xi32, #tpu.memory_space<vmem>> -> memref<1x128xi32, #tpu.memory_space<vmem>>
          %dma_start3A_54 = tpu.memref_squeeze %dma_start3A_53 : memref<1x128xi32, #tpu.memory_space<vmem>> -> memref<128xi32, #tpu.memory_space<vmem>>
          %dma_start3A_55 = arith.constant 0 : i32
          %dma_start3A_56 = arith.constant 0 : i32
          %dma_start3A_57 = tpu.memref_slice %arg11[%dma_start3A_55, %dma_start3A_56] : memref<10240x128xf32, #tpu.memory_space<vmem_shared>> -> memref<10240x128xf32, #tpu.memory_space<vmem_shared>>
          tpu.enqueue_indirect_dma source(%arg10 : memref<128x128xf32, #tpu.memory_space<vmem>>) target(%dma_start3A_57 : memref<10240x128xf32, #tpu.memory_space<vmem_shared>>) offsets(%dma_start3A_54 : memref<128xi32, #tpu.memory_space<vmem>>) semaphore(%run_scoped3A : memref<!tpu.dma_semaphore, #tpu.memory_space<semaphore_mem>>) {add = true}
          %dma_wait3A_58 = arith.constant 0 : i32
          %dma_wait3A_59 = tpu.memref_slice %arg9[%scan3A_39, %dma_wait3A_58] : memref<80x128xi32, #tpu.memory_space<vmem>> -> memref<1x128xi32, #tpu.memory_space<vmem>>
          %dma_wait3A_60 = tpu.memref_squeeze %dma_wait3A_59 : memref<1x128xi32, #tpu.memory_space<vmem>> -> memref<128xi32, #tpu.memory_space<vmem>>
          %dma_wait3A_61 = arith.constant 0 : i32
          %dma_wait3A_62 = arith.constant 0 : i32
          %dma_wait3A_63 = tpu.memref_slice %arg11[%dma_wait3A_61, %dma_wait3A_62] : memref<10240x128xf32, #tpu.memory_space<vmem_shared>> -> memref<10240x128xf32, #tpu.memory_space<vmem_shared>>
          tpu.wait_indirect_dma semaphore(%run_scoped3A : memref<!tpu.dma_semaphore, #tpu.memory_space<semaphore_mem>>) src(%arg10 : memref<128x128xf32, #tpu.memory_space<vmem>>) dst(%dma_wait3A_63 : memref<10240x128xf32, #tpu.memory_space<vmem_shared>>)
          tpu.yield
        }) : () -> ()
        %scan3A_51 = arith.constant 0 : i32
        scf.yield %scan3A_51 : i32
      }
      %scan3A_38 = arith.constant 80 : i32
    } else {
    }
    %eq3A_16 = arith.constant 1 : i32
    %eq3A_17 = arith.cmpi eq, %arg0, %eq3A_16 : i32
    %convert_element_type3A_18 = arith.extui %eq3A_17 : i1 to i32
    %cond3A_19 = arith.constant 0 : i32
    %cond3A_20 = arith.cmpi ne, %convert_element_type3A_18, %cond3A_19 : i32
    scf.if %cond3A_20 {
      %scan3A_32 = arith.constant 0 : i32
      %scan3A_33 = arith.constant 0 : i32
      %scan3A_34 = arith.constant 80 : i32
      %scan3A_35 = arith.addi %scan3A_33, %scan3A_34 : i32
      %scan3A_36 = arith.constant 1 : i32
      %scan3A_37 = scf.for %scan3A_39 = %scan3A_33 to %scan3A_35 step %scan3A_36 iter_args(%scan3A_40 = %scan3A_32) -> (i32)  : i32 {
        %dma_start3A = arith.constant 0 : i32
        %dma_start3A_41 = tpu.memref_slice %arg8[%scan3A_39, %dma_start3A] : memref<80x128xi32, #tpu.memory_space<vmem>> -> memref<1x128xi32, #tpu.memory_space<vmem>>
        %dma_start3A_42 = tpu.memref_squeeze %dma_start3A_41 : memref<1x128xi32, #tpu.memory_space<vmem>> -> memref<128xi32, #tpu.memory_space<vmem>>
        %dma_start3A_43 = arith.constant 0 : i32
        %dma_start3A_44 = arith.constant 0 : i32
        %dma_start3A_45 = tpu.memref_slice %arg5[%dma_start3A_43, %dma_start3A_44] : memref<10000x128xf32, #tpu.memory_space<hbm>> -> memref<10000x128xf32, #tpu.memory_space<hbm>>
        tpu.enqueue_indirect_dma source(%dma_start3A_45 : memref<10000x128xf32, #tpu.memory_space<hbm>>) target(%arg10 : memref<128x128xf32, #tpu.memory_space<vmem>>) offsets(%dma_start3A_42 : memref<128xi32, #tpu.memory_space<vmem>>) semaphore(%arg12 : memref<!tpu.dma_semaphore, #tpu.memory_space<semaphore_mem>>)
        %dma_wait3A = arith.constant 0 : i32
        %dma_wait3A_46 = tpu.memref_slice %arg8[%scan3A_39, %dma_wait3A] : memref<80x128xi32, #tpu.memory_space<vmem>> -> memref<1x128xi32, #tpu.memory_space<vmem>>
        %dma_wait3A_47 = tpu.memref_squeeze %dma_wait3A_46 : memref<1x128xi32, #tpu.memory_space<vmem>> -> memref<128xi32, #tpu.memory_space<vmem>>
        %dma_wait3A_48 = arith.constant 0 : i32
        %dma_wait3A_49 = arith.constant 0 : i32
        %dma_wait3A_50 = tpu.memref_slice %arg5[%dma_wait3A_48, %dma_wait3A_49] : memref<10000x128xf32, #tpu.memory_space<hbm>> -> memref<10000x128xf32, #tpu.memory_space<hbm>>
        tpu.wait_indirect_dma semaphore(%arg12 : memref<!tpu.dma_semaphore, #tpu.memory_space<semaphore_mem>>) src(%dma_wait3A_50 : memref<10000x128xf32, #tpu.memory_space<hbm>>) dst(%arg10 : memref<128x128xf32, #tpu.memory_space<vmem>>)
        "tpu.region"() ({
          %run_scoped3A = tpu.sem_alloc : memref<!tpu.dma_semaphore, #tpu.memory_space<semaphore_mem>>
          %dma_start3A_52 = arith.constant 0 : i32
          %dma_start3A_53 = tpu.memref_slice %arg9[%scan3A_39, %dma_start3A_52] : memref<80x128xi32, #tpu.memory_space<vmem>> -> memref<1x128xi32, #tpu.memory_space<vmem>>
          %dma_start3A_54 = tpu.memref_squeeze %dma_start3A_53 : memref<1x128xi32, #tpu.memory_space<vmem>> -> memref<128xi32, #tpu.memory_space<vmem>>
          %dma_start3A_55 = arith.constant 0 : i32
          %dma_start3A_56 = arith.constant 0 : i32
          %dma_start3A_57 = tpu.memref_slice %arg11[%dma_start3A_55, %dma_start3A_56] : memref<10240x128xf32, #tpu.memory_space<vmem_shared>> -> memref<10240x128xf32, #tpu.memory_space<vmem_shared>>
          tpu.enqueue_indirect_dma source(%arg10 : memref<128x128xf32, #tpu.memory_space<vmem>>) target(%dma_start3A_57 : memref<10240x128xf32, #tpu.memory_space<vmem_shared>>) offsets(%dma_start3A_54 : memref<128xi32, #tpu.memory_space<vmem>>) semaphore(%run_scoped3A : memref<!tpu.dma_semaphore, #tpu.memory_space<semaphore_mem>>) {add = true}
          %dma_wait3A_58 = arith.constant 0 : i32
          %dma_wait3A_59 = tpu.memref_slice %arg9[%scan3A_39, %dma_wait3A_58] : memref<80x128xi32, #tpu.memory_space<vmem>> -> memref<1x128xi32, #tpu.memory_space<vmem>>
          %dma_wait3A_60 = tpu.memref_squeeze %dma_wait3A_59 : memref<1x128xi32, #tpu.memory_space<vmem>> -> memref<128xi32, #tpu.memory_space<vmem>>
          %dma_wait3A_61 = arith.constant 0 : i32
          %dma_wait3A_62 = arith.constant 0 : i32
          %dma_wait3A_63 = tpu.memref_slice %arg11[%dma_wait3A_61, %dma_wait3A_62] : memref<10240x128xf32, #tpu.memory_space<vmem_shared>> -> memref<10240x128xf32, #tpu.memory_space<vmem_shared>>
          tpu.wait_indirect_dma semaphore(%run_scoped3A : memref<!tpu.dma_semaphore, #tpu.memory_space<semaphore_mem>>) src(%arg10 : memref<128x128xf32, #tpu.memory_space<vmem>>) dst(%dma_wait3A_63 : memref<10240x128xf32, #tpu.memory_space<vmem_shared>>)
          tpu.yield
        }) : () -> ()
        %scan3A_51 = arith.constant 0 : i32
        scf.yield %scan3A_51 : i32
      }
      %scan3A_38 = arith.constant 80 : i32
    } else {
    }
    %barrier3A_21 = arith.constant 0 : index
    tpu.barrier barrier_id(%barrier3A_21)
    %eq3A_22 = arith.constant 0 : i32
    %eq3A_23 = arith.cmpi eq, %arg0, %eq3A_22 : i32
    %convert_element_type3A_24 = arith.extui %eq3A_23 : i1 to i32
    %cond3A_25 = arith.constant 0 : i32
    %cond3A_26 = arith.cmpi ne, %convert_element_type3A_24, %cond3A_25 : i32
    scf.if %cond3A_26 {
      "tpu.region"() ({
        %run_scoped3A = tpu.sem_alloc : memref<!tpu.dma_semaphore, #tpu.memory_space<semaphore_mem>>
        %dma_start3A = arith.constant 0 : i32
        %dma_start3A_32 = tpu.memref_slice %arg6[%mul3A_6, %dma_start3A] : memref<10240x128xf32, #tpu.memory_space<hbm>> -> memref<640x128xf32, #tpu.memory_space<hbm>>
        %dma_start3A_33 = arith.constant 0 : i32
        %dma_start3A_34 = tpu.memref_slice %arg11[%mul3A_6, %dma_start3A_33] : memref<10240x128xf32, #tpu.memory_space<vmem_shared>> -> memref<640x128xf32, #tpu.memory_space<vmem_shared>>
        tpu.enqueue_dma source(%dma_start3A_34 : memref<640x128xf32, #tpu.memory_space<vmem_shared>>) target(%dma_start3A_32 : memref<640x128xf32, #tpu.memory_space<hbm>>) target_semaphore(%run_scoped3A : memref<!tpu.dma_semaphore, #tpu.memory_space<semaphore_mem>>)
        %dma_wait3A = arith.constant 0 : i32
        %dma_wait3A_35 = tpu.memref_slice %arg6[%mul3A_6, %dma_wait3A] : memref<10240x128xf32, #tpu.memory_space<hbm>> -> memref<640x128xf32, #tpu.memory_space<hbm>>
        %dma_wait3A_36 = arith.constant 0 : i32
        %dma_wait3A_37 = tpu.memref_slice %arg11[%mul3A_6, %dma_wait3A_36] : memref<10240x128xf32, #tpu.memory_space<vmem_shared>> -> memref<640x128xf32, #tpu.memory_space<vmem_shared>>
        tpu.wait_dma2 semaphore(%run_scoped3A : memref<!tpu.dma_semaphore, #tpu.memory_space<semaphore_mem>>) src(%dma_wait3A_37 : memref<640x128xf32, #tpu.memory_space<vmem_shared>>) dst(%dma_wait3A_35 : memref<640x128xf32, #tpu.memory_space<hbm>>)
        tpu.yield
      }) : () -> ()
    } else {
    }
    %eq3A_27 = arith.constant 1 : i32
    %eq3A_28 = arith.cmpi eq, %arg0, %eq3A_27 : i32
    %convert_element_type3A_29 = arith.extui %eq3A_28 : i1 to i32
    %cond3A_30 = arith.constant 0 : i32
    %cond3A_31 = arith.cmpi ne, %convert_element_type3A_29, %cond3A_30 : i32
    scf.if %cond3A_31 {
      "tpu.region"() ({
        %run_scoped3A = tpu.sem_alloc : memref<!tpu.dma_semaphore, #tpu.memory_space<semaphore_mem>>
        %dma_start3A = arith.constant 0 : i32
        %dma_start3A_32 = tpu.memref_slice %arg7[%mul3A_6, %dma_start3A] : memref<10240x128xf32, #tpu.memory_space<hbm>> -> memref<640x128xf32, #tpu.memory_space<hbm>>
        %dma_start3A_33 = arith.constant 0 : i32
        %dma_start3A_34 = tpu.memref_slice %arg11[%mul3A_6, %dma_start3A_33] : memref<10240x128xf32, #tpu.memory_space<vmem_shared>> -> memref<640x128xf32, #tpu.memory_space<vmem_shared>>
        tpu.enqueue_dma source(%dma_start3A_34 : memref<640x128xf32, #tpu.memory_space<vmem_shared>>) target(%dma_start3A_32 : memref<640x128xf32, #tpu.memory_space<hbm>>) target_semaphore(%run_scoped3A : memref<!tpu.dma_semaphore, #tpu.memory_space<semaphore_mem>>)
        %dma_wait3A = arith.constant 0 : i32
        %dma_wait3A_35 = tpu.memref_slice %arg7[%mul3A_6, %dma_wait3A] : memref<10240x128xf32, #tpu.memory_space<hbm>> -> memref<640x128xf32, #tpu.memory_space<hbm>>
        %dma_wait3A_36 = arith.constant 0 : i32
        %dma_wait3A_37 = tpu.memref_slice %arg11[%mul3A_6, %dma_wait3A_36] : memref<10240x128xf32, #tpu.memory_space<vmem_shared>> -> memref<640x128xf32, #tpu.memory_space<vmem_shared>>
        tpu.wait_dma2 semaphore(%run_scoped3A : memref<!tpu.dma_semaphore, #tpu.memory_space<semaphore_mem>>) src(%dma_wait3A_37 : memref<640x128xf32, #tpu.memory_space<vmem_shared>>) dst(%dma_wait3A_35 : memref<640x128xf32, #tpu.memory_space<hbm>>)
        tpu.yield
      }) : () -> ()
    } else {
    }
    return
  }
}

#map = affine_map<(d0, d1) -> (0, 0, 0)>
#map1 = affine_map<(d0, d1) -> (0, 0)>
module attributes {stable_mosaic.version = 14 : i64} {
  func.func @_sc_segsum(%arg0: i32, %arg1: i32, %arg2: memref<16x80x128xi32, #tpu.memory_space<hbm>>, %arg3: memref<16x80x128xi32, #tpu.memory_space<hbm>>, %arg4: memref<10000x128xf32, #tpu.memory_space<hbm>>, %arg5: memref<10000x128xf32, #tpu.memory_space<hbm>>, %arg6: memref<10240x128xf32, #tpu.memory_space<hbm>>, %arg7: memref<10240x128xf32, #tpu.memory_space<hbm>>, %arg8: memref<80x128xi32, #tpu.memory_space<vmem>>, %arg9: memref<80x128xi32, #tpu.memory_space<vmem>>, %arg10: memref<128x128xf32, #tpu.memory_space<vmem>>, %arg11: memref<10240x128xf32, #tpu.memory_space<vmem_shared>>, %arg12: memref<!tpu.dma_semaphore, #tpu.memory_space<semaphore_mem>>) attributes {dimension_semantics = [#tpu.dimension_semantics<core_parallel>, #tpu.dimension_semantics<subcore_parallel>], iteration_bounds = array<i64: 2, 16>, scalar_prefetch = 0 : i64, scratch_operands = 5 : i64, tpu.core_type = #tpu.core_type<sc_vector_subcore>, window_params = [{transform_indices = #map}, {transform_indices = #map}, {transform_indices = #map1}, {transform_indices = #map1}, {transform_indices = #map1}, {transform_indices = #map1}]} {
    "tpu.region"() ({
      %run_scoped3A = tpu.sem_alloc : memref<!tpu.dma_semaphore, #tpu.memory_space<semaphore_mem>>
      %dma_start3A = arith.constant 0 : i32
      %dma_start3A_32 = arith.constant 0 : i32
      %dma_start3A_33 = tpu.memref_slice %arg2[%arg1, %dma_start3A, %dma_start3A_32] : memref<16x80x128xi32, #tpu.memory_space<hbm>> -> memref<1x80x128xi32, #tpu.memory_space<hbm>>
      %dma_start3A_34 = tpu.memref_squeeze %dma_start3A_33 : memref<1x80x128xi32, #tpu.memory_space<hbm>> -> memref<80x128xi32, #tpu.memory_space<hbm>>
      %dma_start3A_35 = arith.constant 0 : i32
      %dma_start3A_36 = arith.constant 0 : i32
      %dma_start3A_37 = tpu.memref_slice %arg2[%arg1, %dma_start3A_35, %dma_start3A_36] : memref<16x80x128xi32, #tpu.memory_space<hbm>> -> memref<1x80x128xi32, #tpu.memory_space<hbm>>
      %dma_start3A_38 = tpu.memref_squeeze %dma_start3A_37 : memref<1x80x128xi32, #tpu.memory_space<hbm>> -> memref<80x128xi32, #tpu.memory_space<hbm>>
      tpu.enqueue_dma source(%dma_start3A_38 : memref<80x128xi32, #tpu.memory_space<hbm>>) target(%arg8 : memref<80x128xi32, #tpu.memory_space<vmem>>) target_semaphore(%run_scoped3A : memref<!tpu.dma_semaphore, #tpu.memory_space<semaphore_mem>>)
      %dma_wait3A = arith.constant 0 : i32
      %dma_wait3A_39 = arith.constant 0 : i32
      %dma_wait3A_40 = tpu.memref_slice %arg2[%arg1, %dma_wait3A, %dma_wait3A_39] : memref<16x80x128xi32, #tpu.memory_space<hbm>> -> memref<1x80x128xi32, #tpu.memory_space<hbm>>
      %dma_wait3A_41 = tpu.memref_squeeze %dma_wait3A_40 : memref<1x80x128xi32, #tpu.memory_space<hbm>> -> memref<80x128xi32, #tpu.memory_space<hbm>>
      %dma_wait3A_42 = arith.constant 0 : i32
      %dma_wait3A_43 = arith.constant 0 : i32
      %dma_wait3A_44 = tpu.memref_slice %arg2[%arg1, %dma_wait3A_42, %dma_wait3A_43] : memref<16x80x128xi32, #tpu.memory_space<hbm>> -> memref<1x80x128xi32, #tpu.memory_space<hbm>>
      %dma_wait3A_45 = tpu.memref_squeeze %dma_wait3A_44 : memref<1x80x128xi32, #tpu.memory_space<hbm>> -> memref<80x128xi32, #tpu.memory_space<hbm>>
      tpu.wait_dma2 semaphore(%run_scoped3A : memref<!tpu.dma_semaphore, #tpu.memory_space<semaphore_mem>>) src(%dma_wait3A_45 : memref<80x128xi32, #tpu.memory_space<hbm>>) dst(%arg8 : memref<80x128xi32, #tpu.memory_space<vmem>>)
      tpu.yield
    }) : () -> ()
    "tpu.region"() ({
      %run_scoped3A = tpu.sem_alloc : memref<!tpu.dma_semaphore, #tpu.memory_space<semaphore_mem>>
      %dma_start3A = arith.constant 0 : i32
      %dma_start3A_32 = arith.constant 0 : i32
      %dma_start3A_33 = tpu.memref_slice %arg3[%arg1, %dma_start3A, %dma_start3A_32] : memref<16x80x128xi32, #tpu.memory_space<hbm>> -> memref<1x80x128xi32, #tpu.memory_space<hbm>>
      %dma_start3A_34 = tpu.memref_squeeze %dma_start3A_33 : memref<1x80x128xi32, #tpu.memory_space<hbm>> -> memref<80x128xi32, #tpu.memory_space<hbm>>
      %dma_start3A_35 = arith.constant 0 : i32
      %dma_start3A_36 = arith.constant 0 : i32
      %dma_start3A_37 = tpu.memref_slice %arg3[%arg1, %dma_start3A_35, %dma_start3A_36] : memref<16x80x128xi32, #tpu.memory_space<hbm>> -> memref<1x80x128xi32, #tpu.memory_space<hbm>>
      %dma_start3A_38 = tpu.memref_squeeze %dma_start3A_37 : memref<1x80x128xi32, #tpu.memory_space<hbm>> -> memref<80x128xi32, #tpu.memory_space<hbm>>
      tpu.enqueue_dma source(%dma_start3A_38 : memref<80x128xi32, #tpu.memory_space<hbm>>) target(%arg9 : memref<80x128xi32, #tpu.memory_space<vmem>>) target_semaphore(%run_scoped3A : memref<!tpu.dma_semaphore, #tpu.memory_space<semaphore_mem>>)
      %dma_wait3A = arith.constant 0 : i32
      %dma_wait3A_39 = arith.constant 0 : i32
      %dma_wait3A_40 = tpu.memref_slice %arg3[%arg1, %dma_wait3A, %dma_wait3A_39] : memref<16x80x128xi32, #tpu.memory_space<hbm>> -> memref<1x80x128xi32, #tpu.memory_space<hbm>>
      %dma_wait3A_41 = tpu.memref_squeeze %dma_wait3A_40 : memref<1x80x128xi32, #tpu.memory_space<hbm>> -> memref<80x128xi32, #tpu.memory_space<hbm>>
      %dma_wait3A_42 = arith.constant 0 : i32
      %dma_wait3A_43 = arith.constant 0 : i32
      %dma_wait3A_44 = tpu.memref_slice %arg3[%arg1, %dma_wait3A_42, %dma_wait3A_43] : memref<16x80x128xi32, #tpu.memory_space<hbm>> -> memref<1x80x128xi32, #tpu.memory_space<hbm>>
      %dma_wait3A_45 = tpu.memref_squeeze %dma_wait3A_44 : memref<1x80x128xi32, #tpu.memory_space<hbm>> -> memref<80x128xi32, #tpu.memory_space<hbm>>
      tpu.wait_dma2 semaphore(%run_scoped3A : memref<!tpu.dma_semaphore, #tpu.memory_space<semaphore_mem>>) src(%dma_wait3A_45 : memref<80x128xi32, #tpu.memory_space<hbm>>) dst(%arg9 : memref<80x128xi32, #tpu.memory_space<vmem>>)
      tpu.yield
    }) : () -> ()
    %scan3A = arith.constant 0 : i32
    %scan3A_0 = arith.constant 0 : i32
    %scan3A_1 = arith.constant 128 : i32
    %scan3A_2 = arith.addi %scan3A_0, %scan3A_1 : i32
    %scan3A_3 = arith.constant 1 : i32
    %scan3A_4 = scf.for %scan3A_32 = %scan3A_0 to %scan3A_2 step %scan3A_3 iter_args(%scan3A_33 = %scan3A) -> (i32)  : i32 {
      %scan3A_34 = arith.constant 0 : i32
      %scan3A_35 = arith.constant 0 : i32
      %scan3A_36 = arith.constant 8 : i32
      %scan3A_37 = arith.addi %scan3A_35, %scan3A_36 : i32
      %scan3A_38 = arith.constant 1 : i32
      %scan3A_39 = scf.for %scan3A_42 = %scan3A_35 to %scan3A_37 step %scan3A_38 iter_args(%scan3A_43 = %scan3A_34) -> (i32)  : i32 {
        %broadcast_in_dim3A = arith.constant 0.000000e+00 : f32
        %broadcast_in_dim3A_44 = vector.broadcast %broadcast_in_dim3A : f32 to vector<16xf32>
        %mul3A_45 = arith.constant 16 : i32
        %mul3A_46 = arith.muli %scan3A_42, %mul3A_45 : i32
        %swap3A = arith.index_cast %scan3A_32 : i32 to index
        %swap3A_47 = arith.index_cast %mul3A_46 : i32 to index
        %swap3A_48 = tpu.vector_load %arg10[%swap3A, %swap3A_47] {strides = array<i32>} : memref<128x128xf32, #tpu.memory_space<vmem>>, vector<1x16xf32>,
        %swap3A_49 = vector.shape_cast %swap3A_48 : vector<1x16xf32> to vector<16xf32>
        %swap3A_50 = vector.shape_cast %broadcast_in_dim3A_44 : vector<16xf32> to vector<1x16xf32>
        tpu.vector_store %arg10[%swap3A, %swap3A_47], %swap3A_50 {strides = array<i32>} : memref<128x128xf32, #tpu.memory_space<vmem>>, vector<1x16xf32>,
        %scan3A_51 = arith.constant 0 : i32
        scf.yield %scan3A_51 : i32
      }
      %scan3A_40 = arith.constant 8 : i32
      %scan3A_41 = arith.constant 0 : i32
      scf.yield %scan3A_41 : i32
    }
    %scan3A_5 = arith.constant 128 : i32
    %mul3A = arith.constant 640 : i32
    %mul3A_6 = arith.muli %arg1, %mul3A : i32
    %scan3A_7 = arith.constant 0 : i32
    %scan3A_8 = arith.constant 0 : i32
    %scan3A_9 = arith.constant 5 : i32
    %scan3A_10 = arith.addi %scan3A_8, %scan3A_9 : i32
    %scan3A_11 = arith.constant 1 : i32
    %scan3A_12 = scf.for %scan3A_32 = %scan3A_8 to %scan3A_10 step %scan3A_11 iter_args(%scan3A_33 = %scan3A_7) -> (i32)  : i32 {
      %mul3A_34 = arith.constant 128 : i32
      %mul3A_35 = arith.muli %scan3A_32, %mul3A_34 : i32
      %add3A = arith.addi %mul3A_6, %mul3A_35 : i32
      "tpu.region"() ({
        %run_scoped3A = tpu.sem_alloc : memref<!tpu.dma_semaphore, #tpu.memory_space<semaphore_mem>>
        %dma_start3A = arith.constant 0 : i32
        %dma_start3A_37 = tpu.memref_slice %arg11[%add3A, %dma_start3A] : memref<10240x128xf32, #tpu.memory_space<vmem_shared>> -> memref<128x128xf32, #tpu.memory_space<vmem_shared>>
        %dma_start3A_38 = arith.constant 0 : i32
        %dma_start3A_39 = tpu.memref_slice %arg11[%add3A, %dma_start3A_38] : memref<10240x128xf32, #tpu.memory_space<vmem_shared>> -> memref<128x128xf32, #tpu.memory_space<vmem_shared>>
        tpu.enqueue_dma source(%arg10 : memref<128x128xf32, #tpu.memory_space<vmem>>) target(%dma_start3A_39 : memref<128x128xf32, #tpu.memory_space<vmem_shared>>) target_semaphore(%run_scoped3A : memref<!tpu.dma_semaphore, #tpu.memory_space<semaphore_mem>>)
        %dma_wait3A = arith.constant 0 : i32
        %dma_wait3A_40 = tpu.memref_slice %arg11[%add3A, %dma_wait3A] : memref<10240x128xf32, #tpu.memory_space<vmem_shared>> -> memref<128x128xf32, #tpu.memory_space<vmem_shared>>
        %dma_wait3A_41 = arith.constant 0 : i32
        %dma_wait3A_42 = tpu.memref_slice %arg11[%add3A, %dma_wait3A_41] : memref<10240x128xf32, #tpu.memory_space<vmem_shared>> -> memref<128x128xf32, #tpu.memory_space<vmem_shared>>
        tpu.wait_dma2 semaphore(%run_scoped3A : memref<!tpu.dma_semaphore, #tpu.memory_space<semaphore_mem>>) src(%arg10 : memref<128x128xf32, #tpu.memory_space<vmem>>) dst(%dma_wait3A_42 : memref<128x128xf32, #tpu.memory_space<vmem_shared>>)
        tpu.yield
      }) : () -> ()
      %scan3A_36 = arith.constant 0 : i32
      scf.yield %scan3A_36 : i32
    }
    %scan3A_13 = arith.constant 5 : i32
    %barrier3A = arith.constant 0 : index
    tpu.barrier barrier_id(%barrier3A)
    %eq3A = arith.constant 0 : i32
    %eq3A_14 = arith.cmpi eq, %arg0, %eq3A : i32
    %convert_element_type3A = arith.extui %eq3A_14 : i1 to i32
    %cond3A = arith.constant 0 : i32
    %cond3A_15 = arith.cmpi ne, %convert_element_type3A, %cond3A : i32
    scf.if %cond3A_15 {
      %scan3A_32 = arith.constant 0 : i32
      %scan3A_33 = arith.constant 0 : i32
      %scan3A_34 = arith.constant 80 : i32
      %scan3A_35 = arith.addi %scan3A_33, %scan3A_34 : i32
      %scan3A_36 = arith.constant 1 : i32
      %scan3A_37 = scf.for %scan3A_39 = %scan3A_33 to %scan3A_35 step %scan3A_36 iter_args(%scan3A_40 = %scan3A_32) -> (i32)  : i32 {
        %dma_start3A = arith.constant 0 : i32
        %dma_start3A_41 = tpu.memref_slice %arg8[%scan3A_39, %dma_start3A] : memref<80x128xi32, #tpu.memory_space<vmem>> -> memref<1x128xi32, #tpu.memory_space<vmem>>
        %dma_start3A_42 = tpu.memref_squeeze %dma_start3A_41 : memref<1x128xi32, #tpu.memory_space<vmem>> -> memref<128xi32, #tpu.memory_space<vmem>>
        %dma_start3A_43 = arith.constant 0 : i32
        %dma_start3A_44 = arith.constant 0 : i32
        %dma_start3A_45 = tpu.memref_slice %arg4[%dma_start3A_43, %dma_start3A_44] : memref<10000x128xf32, #tpu.memory_space<hbm>> -> memref<10000x128xf32, #tpu.memory_space<hbm>>
        tpu.enqueue_indirect_dma source(%dma_start3A_45 : memref<10000x128xf32, #tpu.memory_space<hbm>>) target(%arg10 : memref<128x128xf32, #tpu.memory_space<vmem>>) offsets(%dma_start3A_42 : memref<128xi32, #tpu.memory_space<vmem>>) semaphore(%arg12 : memref<!tpu.dma_semaphore, #tpu.memory_space<semaphore_mem>>)
        %dma_wait3A = arith.constant 0 : i32
        %dma_wait3A_46 = tpu.memref_slice %arg8[%scan3A_39, %dma_wait3A] : memref<80x128xi32, #tpu.memory_space<vmem>> -> memref<1x128xi32, #tpu.memory_space<vmem>>
        %dma_wait3A_47 = tpu.memref_squeeze %dma_wait3A_46 : memref<1x128xi32, #tpu.memory_space<vmem>> -> memref<128xi32, #tpu.memory_space<vmem>>
        %dma_wait3A_48 = arith.constant 0 : i32
        %dma_wait3A_49 = arith.constant 0 : i32
        %dma_wait3A_50 = tpu.memref_slice %arg4[%dma_wait3A_48, %dma_wait3A_49] : memref<10000x128xf32, #tpu.memory_space<hbm>> -> memref<10000x128xf32, #tpu.memory_space<hbm>>
        tpu.wait_indirect_dma semaphore(%arg12 : memref<!tpu.dma_semaphore, #tpu.memory_space<semaphore_mem>>) src(%dma_wait3A_50 : memref<10000x128xf32, #tpu.memory_space<hbm>>) dst(%arg10 : memref<128x128xf32, #tpu.memory_space<vmem>>)
        "tpu.region"() ({
          %run_scoped3A = tpu.sem_alloc : memref<!tpu.dma_semaphore, #tpu.memory_space<semaphore_mem>>
          %dma_start3A_52 = arith.constant 0 : i32
          %dma_start3A_53 = tpu.memref_slice %arg9[%scan3A_39, %dma_start3A_52] : memref<80x128xi32, #tpu.memory_space<vmem>> -> memref<1x128xi32, #tpu.memory_space<vmem>>
          %dma_start3A_54 = tpu.memref_squeeze %dma_start3A_53 : memref<1x128xi32, #tpu.memory_space<vmem>> -> memref<128xi32, #tpu.memory_space<vmem>>
          %dma_start3A_55 = arith.constant 0 : i32
          %dma_start3A_56 = arith.constant 0 : i32
          %dma_start3A_57 = tpu.memref_slice %arg11[%dma_start3A_55, %dma_start3A_56] : memref<10240x128xf32, #tpu.memory_space<vmem_shared>> -> memref<10240x128xf32, #tpu.memory_space<vmem_shared>>
          tpu.enqueue_indirect_dma source(%arg10 : memref<128x128xf32, #tpu.memory_space<vmem>>) target(%dma_start3A_57 : memref<10240x128xf32, #tpu.memory_space<vmem_shared>>) offsets(%dma_start3A_54 : memref<128xi32, #tpu.memory_space<vmem>>) semaphore(%run_scoped3A : memref<!tpu.dma_semaphore, #tpu.memory_space<semaphore_mem>>) {add = true}
          %dma_wait3A_58 = arith.constant 0 : i32
          %dma_wait3A_59 = tpu.memref_slice %arg9[%scan3A_39, %dma_wait3A_58] : memref<80x128xi32, #tpu.memory_space<vmem>> -> memref<1x128xi32, #tpu.memory_space<vmem>>
          %dma_wait3A_60 = tpu.memref_squeeze %dma_wait3A_59 : memref<1x128xi32, #tpu.memory_space<vmem>> -> memref<128xi32, #tpu.memory_space<vmem>>
          %dma_wait3A_61 = arith.constant 0 : i32
          %dma_wait3A_62 = arith.constant 0 : i32
          %dma_wait3A_63 = tpu.memref_slice %arg11[%dma_wait3A_61, %dma_wait3A_62] : memref<10240x128xf32, #tpu.memory_space<vmem_shared>> -> memref<10240x128xf32, #tpu.memory_space<vmem_shared>>
          tpu.wait_indirect_dma semaphore(%run_scoped3A : memref<!tpu.dma_semaphore, #tpu.memory_space<semaphore_mem>>) src(%arg10 : memref<128x128xf32, #tpu.memory_space<vmem>>) dst(%dma_wait3A_63 : memref<10240x128xf32, #tpu.memory_space<vmem_shared>>)
          tpu.yield
        }) : () -> ()
        %scan3A_51 = arith.constant 0 : i32
        scf.yield %scan3A_51 : i32
      }
      %scan3A_38 = arith.constant 80 : i32
    } else {
    }
    %eq3A_16 = arith.constant 1 : i32
    %eq3A_17 = arith.cmpi eq, %arg0, %eq3A_16 : i32
    %convert_element_type3A_18 = arith.extui %eq3A_17 : i1 to i32
    %cond3A_19 = arith.constant 0 : i32
    %cond3A_20 = arith.cmpi ne, %convert_element_type3A_18, %cond3A_19 : i32
    scf.if %cond3A_20 {
      %scan3A_32 = arith.constant 0 : i32
      %scan3A_33 = arith.constant 0 : i32
      %scan3A_34 = arith.constant 80 : i32
      %scan3A_35 = arith.addi %scan3A_33, %scan3A_34 : i32
      %scan3A_36 = arith.constant 1 : i32
      %scan3A_37 = scf.for %scan3A_39 = %scan3A_33 to %scan3A_35 step %scan3A_36 iter_args(%scan3A_40 = %scan3A_32) -> (i32)  : i32 {
        %dma_start3A = arith.constant 0 : i32
        %dma_start3A_41 = tpu.memref_slice %arg8[%scan3A_39, %dma_start3A] : memref<80x128xi32, #tpu.memory_space<vmem>> -> memref<1x128xi32, #tpu.memory_space<vmem>>
        %dma_start3A_42 = tpu.memref_squeeze %dma_start3A_41 : memref<1x128xi32, #tpu.memory_space<vmem>> -> memref<128xi32, #tpu.memory_space<vmem>>
        %dma_start3A_43 = arith.constant 0 : i32
        %dma_start3A_44 = arith.constant 0 : i32
        %dma_start3A_45 = tpu.memref_slice %arg5[%dma_start3A_43, %dma_start3A_44] : memref<10000x128xf32, #tpu.memory_space<hbm>> -> memref<10000x128xf32, #tpu.memory_space<hbm>>
        tpu.enqueue_indirect_dma source(%dma_start3A_45 : memref<10000x128xf32, #tpu.memory_space<hbm>>) target(%arg10 : memref<128x128xf32, #tpu.memory_space<vmem>>) offsets(%dma_start3A_42 : memref<128xi32, #tpu.memory_space<vmem>>) semaphore(%arg12 : memref<!tpu.dma_semaphore, #tpu.memory_space<semaphore_mem>>)
        %dma_wait3A = arith.constant 0 : i32
        %dma_wait3A_46 = tpu.memref_slice %arg8[%scan3A_39, %dma_wait3A] : memref<80x128xi32, #tpu.memory_space<vmem>> -> memref<1x128xi32, #tpu.memory_space<vmem>>
        %dma_wait3A_47 = tpu.memref_squeeze %dma_wait3A_46 : memref<1x128xi32, #tpu.memory_space<vmem>> -> memref<128xi32, #tpu.memory_space<vmem>>
        %dma_wait3A_48 = arith.constant 0 : i32
        %dma_wait3A_49 = arith.constant 0 : i32
        %dma_wait3A_50 = tpu.memref_slice %arg5[%dma_wait3A_48, %dma_wait3A_49] : memref<10000x128xf32, #tpu.memory_space<hbm>> -> memref<10000x128xf32, #tpu.memory_space<hbm>>
        tpu.wait_indirect_dma semaphore(%arg12 : memref<!tpu.dma_semaphore, #tpu.memory_space<semaphore_mem>>) src(%dma_wait3A_50 : memref<10000x128xf32, #tpu.memory_space<hbm>>) dst(%arg10 : memref<128x128xf32, #tpu.memory_space<vmem>>)
        "tpu.region"() ({
          %run_scoped3A = tpu.sem_alloc : memref<!tpu.dma_semaphore, #tpu.memory_space<semaphore_mem>>
          %dma_start3A_52 = arith.constant 0 : i32
          %dma_start3A_53 = tpu.memref_slice %arg9[%scan3A_39, %dma_start3A_52] : memref<80x128xi32, #tpu.memory_space<vmem>> -> memref<1x128xi32, #tpu.memory_space<vmem>>
          %dma_start3A_54 = tpu.memref_squeeze %dma_start3A_53 : memref<1x128xi32, #tpu.memory_space<vmem>> -> memref<128xi32, #tpu.memory_space<vmem>>
          %dma_start3A_55 = arith.constant 0 : i32
          %dma_start3A_56 = arith.constant 0 : i32
          %dma_start3A_57 = tpu.memref_slice %arg11[%dma_start3A_55, %dma_start3A_56] : memref<10240x128xf32, #tpu.memory_space<vmem_shared>> -> memref<10240x128xf32, #tpu.memory_space<vmem_shared>>
          tpu.enqueue_indirect_dma source(%arg10 : memref<128x128xf32, #tpu.memory_space<vmem>>) target(%dma_start3A_57 : memref<10240x128xf32, #tpu.memory_space<vmem_shared>>) offsets(%dma_start3A_54 : memref<128xi32, #tpu.memory_space<vmem>>) semaphore(%run_scoped3A : memref<!tpu.dma_semaphore, #tpu.memory_space<semaphore_mem>>) {add = true}
          %dma_wait3A_58 = arith.constant 0 : i32
          %dma_wait3A_59 = tpu.memref_slice %arg9[%scan3A_39, %dma_wait3A_58] : memref<80x128xi32, #tpu.memory_space<vmem>> -> memref<1x128xi32, #tpu.memory_space<vmem>>
          %dma_wait3A_60 = tpu.memref_squeeze %dma_wait3A_59 : memref<1x128xi32, #tpu.memory_space<vmem>> -> memref<128xi32, #tpu.memory_space<vmem>>
          %dma_wait3A_61 = arith.constant 0 : i32
          %dma_wait3A_62 = arith.constant 0 : i32
          %dma_wait3A_63 = tpu.memref_slice %arg11[%dma_wait3A_61, %dma_wait3A_62] : memref<10240x128xf32, #tpu.memory_space<vmem_shared>> -> memref<10240x128xf32, #tpu.memory_space<vmem_shared>>
          tpu.wait_indirect_dma semaphore(%run_scoped3A : memref<!tpu.dma_semaphore, #tpu.memory_space<semaphore_mem>>) src(%arg10 : memref<128x128xf32, #tpu.memory_space<vmem>>) dst(%dma_wait3A_63 : memref<10240x128xf32, #tpu.memory_space<vmem_shared>>)
          tpu.yield
        }) : () -> ()
        %scan3A_51 = arith.constant 0 : i32
        scf.yield %scan3A_51 : i32
      }
      %scan3A_38 = arith.constant 80 : i32
    } else {
    }
    %barrier3A_21 = arith.constant 0 : index
    tpu.barrier barrier_id(%barrier3A_21)
    %eq3A_22 = arith.constant 0 : i32
    %eq3A_23 = arith.cmpi eq, %arg0, %eq3A_22 : i32
    %convert_element_type3A_24 = arith.extui %eq3A_23 : i1 to i32
    %cond3A_25 = arith.constant 0 : i32
    %cond3A_26 = arith.cmpi ne, %convert_element_type3A_24, %cond3A_25 : i32
    scf.if %cond3A_26 {
      "tpu.region"() ({
        %run_scoped3A = tpu.sem_alloc : memref<!tpu.dma_semaphore, #tpu.memory_space<semaphore_mem>>
        %dma_start3A = arith.constant 0 : i32
        %dma_start3A_32 = tpu.memref_slice %arg6[%mul3A_6, %dma_start3A] : memref<10240x128xf32, #tpu.memory_space<hbm>> -> memref<640x128xf32, #tpu.memory_space<hbm>>
        %dma_start3A_33 = arith.constant 0 : i32
        %dma_start3A_34 = tpu.memref_slice %arg11[%mul3A_6, %dma_start3A_33] : memref<10240x128xf32, #tpu.memory_space<vmem_shared>> -> memref<640x128xf32, #tpu.memory_space<vmem_shared>>
        tpu.enqueue_dma source(%dma_start3A_34 : memref<640x128xf32, #tpu.memory_space<vmem_shared>>) target(%dma_start3A_32 : memref<640x128xf32, #tpu.memory_space<hbm>>) target_semaphore(%run_scoped3A : memref<!tpu.dma_semaphore, #tpu.memory_space<semaphore_mem>>)
        %dma_wait3A = arith.constant 0 : i32
        %dma_wait3A_35 = tpu.memref_slice %arg6[%mul3A_6, %dma_wait3A] : memref<10240x128xf32, #tpu.memory_space<hbm>> -> memref<640x128xf32, #tpu.memory_space<hbm>>
        %dma_wait3A_36 = arith.constant 0 : i32
        %dma_wait3A_37 = tpu.memref_slice %arg11[%mul3A_6, %dma_wait3A_36] : memref<10240x128xf32, #tpu.memory_space<vmem_shared>> -> memref<640x128xf32, #tpu.memory_space<vmem_shared>>
        tpu.wait_dma2 semaphore(%run_scoped3A : memref<!tpu.dma_semaphore, #tpu.memory_space<semaphore_mem>>) src(%dma_wait3A_37 : memref<640x128xf32, #tpu.memory_space<vmem_shared>>) dst(%dma_wait3A_35 : memref<640x128xf32, #tpu.memory_space<hbm>>)
        tpu.yield
      }) : () -> ()
    } else {
    }
    %eq3A_27 = arith.constant 1 : i32
    %eq3A_28 = arith.cmpi eq, %arg0, %eq3A_27 : i32
    %convert_element_type3A_29 = arith.extui %eq3A_28 : i1 to i32
    %cond3A_30 = arith.constant 0 : i32
    %cond3A_31 = arith.cmpi ne, %convert_element_type3A_29, %cond3A_30 : i32
    scf.if %cond3A_31 {
      "tpu.region"() ({
        %run_scoped3A = tpu.sem_alloc : memref<!tpu.dma_semaphore, #tpu.memory_space<semaphore_mem>>
        %dma_start3A = arith.constant 0 : i32
        %dma_start3A_32 = tpu.memref_slice %arg7[%mul3A_6, %dma_start3A] : memref<10240x128xf32, #tpu.memory_space<hbm>> -> memref<640x128xf32, #tpu.memory_space<hbm>>
        %dma_start3A_33 = arith.constant 0 : i32
        %dma_start3A_34 = tpu.memref_slice %arg11[%mul3A_6, %dma_start3A_33] : memref<10240x128xf32, #tpu.memory_space<vmem_shared>> -> memref<640x128xf32, #tpu.memory_space<vmem_shared>>
        tpu.enqueue_dma source(%dma_start3A_34 : memref<640x128xf32, #tpu.memory_space<vmem_shared>>) target(%dma_start3A_32 : memref<640x128xf32, #tpu.memory_space<hbm>>) target_semaphore(%run_scoped3A : memref<!tpu.dma_semaphore, #tpu.memory_space<semaphore_mem>>)
        %dma_wait3A = arith.constant 0 : i32
        %dma_wait3A_35 = tpu.memref_slice %arg7[%mul3A_6, %dma_wait3A] : memref<10240x128xf32, #tpu.memory_space<hbm>> -> memref<640x128xf32, #tpu.memory_space<hbm>>
        %dma_wait3A_36 = arith.constant 0 : i32
        %dma_wait3A_37 = tpu.memref_slice %arg11[%mul3A_6, %dma_wait3A_36] : memref<10240x128xf32, #tpu.memory_space<vmem_shared>> -> memref<640x128xf32, #tpu.memory_space<vmem_shared>>
        tpu.wait_dma2 semaphore(%run_scoped3A : memref<!tpu.dma_semaphore, #tpu.memory_space<semaphore_mem>>) src(%dma_wait3A_37 : memref<640x128xf32, #tpu.memory_space<vmem_shared>>) dst(%dma_wait3A_35 : memref<640x128xf32, #tpu.memory_space<hbm>>)
        tpu.yield
      }) : () -> ()
    } else {
    }
    return
  }
}

module attributes {stable_mosaic.version = 14 : i64} {
  func.func @_tc1_body(%arg0: i32, %arg1: memref<1000x256xf32, #tpu.memory_space<vmem>>, %arg2: memref<256x256xf32, #tpu.memory_space<vmem>>, %arg3: memref<1x1000x128xf32, #tpu.memory_space<vmem>>, %arg4: memref<1x1000x128xf32, #tpu.memory_space<vmem>>, %arg5: memref<2x1000x128xf32, #tpu.memory_space<vmem>>) attributes {dimension_semantics = [#tpu.dimension_semantics<arbitrary>], iteration_bounds = array<i64: 10>, scalar_prefetch = 0 : i64, scratch_operands = 0 : i64, tpu.core_type = #tpu.core_type<tc>, window_params = [{transform_indices = @transform_0, window_bounds = array<i64: 1000, 256>}, {pipeline_mode = #tpu.pipeline_mode<synchronous>, transform_indices = @transform_1, window_bounds = array<i64: 256, 256>}, {transform_indices = @transform_2, window_bounds = array<i64: 1, 1000, 128>}, {transform_indices = @transform_3, window_bounds = array<i64: 1, 1000, 128>}, {transform_indices = @transform_4, window_bounds = array<i64: 2, 1000, 128>}]} {
    %get3A = arith.constant 0 : index
    %get3A_0 = arith.constant 0 : index
    %get3A_1 = arith.constant 0 : index
    %get3A_2 = vector.load %arg3[%get3A, %get3A_0, %get3A_1] : memref<1x1000x128xf32, #tpu.memory_space<vmem>>, vector<1x1000x128xf32>
    %get3A_3 = arith.constant 0 : index
    %get3A_4 = arith.constant 0 : index
    %get3A_5 = arith.constant 0 : index
    %get3A_6 = vector.load %arg4[%get3A_3, %get3A_4, %get3A_5] : memref<1x1000x128xf32, #tpu.memory_space<vmem>>, vector<1x1000x128xf32>
    %squeeze3A = vector.shape_cast %get3A_2 : vector<1x1000x128xf32> to vector<1000x128xf32>
    %slice3A = vector.extract_strided_slice %squeeze3A {offsets = [0, 0], sizes = [1000, 1], strides = [1, 1]} : vector<1000x128xf32> to vector<1000x1xf32>
    %squeeze3A_7 = vector.shape_cast %get3A_6 : vector<1x1000x128xf32> to vector<1000x128xf32>
    %slice3A_8 = vector.extract_strided_slice %squeeze3A_7 {offsets = [0, 0], sizes = [1000, 1], strides = [1, 1]} : vector<1000x128xf32> to vector<1000x1xf32>
    %add3A = arith.addf %slice3A, %slice3A_8 : vector<1000x1xf32>
    %add3A_9 = arith.constant 1.000000e+00 : f32
    %add3A_10 = vector.broadcast %add3A_9 : f32 to vector<1000x1xf32>
    %add3A_11 = arith.addf %add3A, %add3A_10 : vector<1000x1xf32>
    %max3A = arith.constant 1.000000e+00 : f32
    %max3A_12 = vector.broadcast %max3A : f32 to vector<1000x1xf32>
    %max3A_13 = arith.maximumf %add3A_11, %max3A_12 : vector<1000x1xf32>
    %rsqrt3A = math.rsqrt %max3A_13 : vector<1000x1xf32>
    %get3A_14 = arith.constant 0 : index
    %get3A_15 = arith.constant 0 : index
    %get3A_16 = vector.load %arg1[%get3A_14, %get3A_15] : memref<1000x256xf32, #tpu.memory_space<vmem>>, vector<1000x256xf32>
    %get3A_17 = arith.constant 0 : index
    %get3A_18 = arith.constant 0 : index
    %get3A_19 = vector.load %arg2[%get3A_17, %get3A_18] : memref<256x256xf32, #tpu.memory_space<vmem>>, vector<256x256xf32>
    %dot_general3A = arith.constant dense<0.000000e+00> : vector<1000x256xf32>
    %dot_general3A_20 = tpu.matmul %get3A_16, %get3A_19, %dot_general3A {dimension_numbers = #tpu.dot_dimension_numbers<[1], [0], [0], [1], [0, 0, 1, 1], [], []>, transpose_lhs_hint = false} : vector<1000x256xf32>, vector<256x256xf32>, vector<1000x256xf32> -> vector<1000x256xf32>
    %mul3A = vector.broadcast %rsqrt3A : vector<1000x1xf32> to vector<1000x256xf32>
    %mul3A_21 = arith.mulf %dot_general3A_20, %mul3A : vector<1000x256xf32>
    %slice3A_22 = vector.extract_strided_slice %mul3A_21 {offsets = [0, 0], sizes = [1000, 128], strides = [1, 1]} : vector<1000x256xf32> to vector<1000x128xf32>
    %swap3A = arith.constant 0 : index
    %swap3A_23 = arith.constant 0 : index
    %swap3A_24 = arith.constant 0 : index
    %swap3A_25 = vector.load %arg5[%swap3A, %swap3A_23, %swap3A_24] : memref<2x1000x128xf32, #tpu.memory_space<vmem>>, vector<1x1000x128xf32>
    %swap3A_26 = vector.shape_cast %swap3A_25 : vector<1x1000x128xf32> to vector<1000x128xf32>
    %swap3A_27 = vector.shape_cast %slice3A_22 : vector<1000x128xf32> to vector<1x1000x128xf32>
    tpu.vector_store %arg5[%swap3A, %swap3A_23, %swap3A_24], %swap3A_27 {strides = array<i32>} : memref<2x1000x128xf32, #tpu.memory_space<vmem>>, vector<1x1000x128xf32>,
    %slice3A_28 = vector.extract_strided_slice %mul3A_21 {offsets = [0, 128], sizes = [1000, 128], strides = [1, 1]} : vector<1000x256xf32> to vector<1000x128xf32>
    %swap3A_29 = arith.constant 1 : index
    %swap3A_30 = arith.constant 0 : index
    %swap3A_31 = arith.constant 0 : index
    %swap3A_32 = vector.load %arg5[%swap3A_29, %swap3A_30, %swap3A_31] : memref<2x1000x128xf32, #tpu.memory_space<vmem>>, vector<1x1000x128xf32>
    %swap3A_33 = vector.shape_cast %swap3A_32 : vector<1x1000x128xf32> to vector<1000x128xf32>
    %swap3A_34 = vector.shape_cast %slice3A_28 : vector<1000x128xf32> to vector<1x1000x128xf32>
    tpu.vector_store %arg5[%swap3A_29, %swap3A_30, %swap3A_31], %swap3A_34 {strides = array<i32>} : memref<2x1000x128xf32, #tpu.memory_space<vmem>>, vector<1x1000x128xf32>,
    return
  }
  func.func @transform_0(%arg0: i32) -> (i32, i32) {
    %c0_i32 = arith.constant 0 : i32
    %c0_i32_0 = arith.constant 0 : i32
    return %arg0, %c0_i32 : i32, i32
  }
  func.func @transform_1(%arg0: i32) -> (i32, i32) {
    %c0_i32 = arith.constant 0 : i32
    %c0_i32_0 = arith.constant 0 : i32
    %c0_i32_1 = arith.constant 0 : i32
    return %c0_i32, %c0_i32_0 : i32, i32
  }
  func.func @transform_2(%arg0: i32) -> (i32, i32, i32) {
    %c0_i32 = arith.constant 0 : i32
    %c0_i32_0 = arith.constant 0 : i32
    %c0_i32_1 = arith.constant 0 : i32
    return %c0_i32, %arg0, %c0_i32_0 : i32, i32, i32
  }
  func.func @transform_3(%arg0: i32) -> (i32, i32, i32) {
    %c1_i32 = arith.constant 1 : i32
    %c0_i32 = arith.constant 0 : i32
    %c0_i32_0 = arith.constant 0 : i32
    return %c1_i32, %arg0, %c0_i32 : i32, i32, i32
  }
  func.func @transform_4(%arg0: i32) -> (i32, i32, i32) {
    %c0_i32 = arith.constant 0 : i32
    %c0_i32_0 = arith.constant 0 : i32
    %c0_i32_1 = arith.constant 0 : i32
    return %c0_i32, %arg0, %c0_i32_0 : i32, i32, i32
  }
}

module attributes {stable_mosaic.version = 14 : i64} {
  func.func @_tc2_body(%arg0: i32, %arg1: memref<1x1000x128xf32, #tpu.memory_space<vmem>>, %arg2: memref<1x1000x128xf32, #tpu.memory_space<vmem>>, %arg3: memref<1x1000x128xf32, #tpu.memory_space<vmem>>, %arg4: memref<1x1000x128xf32, #tpu.memory_space<vmem>>, %arg5: memref<1x1000x128xf32, #tpu.memory_space<vmem>>, %arg6: memref<1x1000x128xf32, #tpu.memory_space<vmem>>, %arg7: memref<256x256xf32, #tpu.memory_space<vmem>>, %arg8: memref<1x256xf32, #tpu.memory_space<vmem>>, %arg9: memref<1x256xf32, #tpu.memory_space<vmem>>, %arg10: memref<1x256xf32, #tpu.memory_space<vmem>>, %arg11: memref<2x1000x128xf32, #tpu.memory_space<vmem>>) attributes {dimension_semantics = [#tpu.dimension_semantics<arbitrary>], iteration_bounds = array<i64: 10>, scalar_prefetch = 0 : i64, scratch_operands = 0 : i64, tpu.core_type = #tpu.core_type<tc>, window_params = [{transform_indices = @transform_0, window_bounds = array<i64: 1, 1000, 128>}, {transform_indices = @transform_1, window_bounds = array<i64: 1, 1000, 128>}, {transform_indices = @transform_2, window_bounds = array<i64: 1, 1000, 128>}, {transform_indices = @transform_3, window_bounds = array<i64: 1, 1000, 128>}, {transform_indices = @transform_4, window_bounds = array<i64: 1, 1000, 128>}, {transform_indices = @transform_5, window_bounds = array<i64: 1, 1000, 128>}, {pipeline_mode = #tpu.pipeline_mode<synchronous>, transform_indices = @transform_6, window_bounds = array<i64: 256, 256>}, {pipeline_mode = #tpu.pipeline_mode<synchronous>, transform_indices = @transform_7, window_bounds = array<i64: 1, 256>}, {pipeline_mode = #tpu.pipeline_mode<synchronous>, transform_indices = @transform_8, window_bounds = array<i64: 1, 256>}, {pipeline_mode = #tpu.pipeline_mode<synchronous>, transform_indices = @transform_9, window_bounds = array<i64: 1, 256>}, {transform_indices = @transform_10, window_bounds = array<i64: 2, 1000, 128>}]} {
    %get3A = arith.constant 0 : index
    %get3A_0 = arith.constant 0 : index
    %get3A_1 = arith.constant 0 : index
    %get3A_2 = vector.load %arg5[%get3A, %get3A_0, %get3A_1] : memref<1x1000x128xf32, #tpu.memory_space<vmem>>, vector<1x1000x128xf32>
    %get3A_3 = arith.constant 0 : index
    %get3A_4 = arith.constant 0 : index
    %get3A_5 = arith.constant 0 : index
    %get3A_6 = vector.load %arg6[%get3A_3, %get3A_4, %get3A_5] : memref<1x1000x128xf32, #tpu.memory_space<vmem>>, vector<1x1000x128xf32>
    %squeeze3A = vector.shape_cast %get3A_2 : vector<1x1000x128xf32> to vector<1000x128xf32>
    %slice3A = vector.extract_strided_slice %squeeze3A {offsets = [0, 0], sizes = [1000, 1], strides = [1, 1]} : vector<1000x128xf32> to vector<1000x1xf32>
    %squeeze3A_7 = vector.shape_cast %get3A_6 : vector<1x1000x128xf32> to vector<1000x128xf32>
    %slice3A_8 = vector.extract_strided_slice %squeeze3A_7 {offsets = [0, 0], sizes = [1000, 1], strides = [1, 1]} : vector<1000x128xf32> to vector<1000x1xf32>
    %add3A = arith.addf %slice3A, %slice3A_8 : vector<1000x1xf32>
    %add3A_9 = arith.constant 1.000000e+00 : f32
    %add3A_10 = vector.broadcast %add3A_9 : f32 to vector<1000x1xf32>
    %add3A_11 = arith.addf %add3A, %add3A_10 : vector<1000x1xf32>
    %max3A = arith.constant 1.000000e+00 : f32
    %max3A_12 = vector.broadcast %max3A : f32 to vector<1000x1xf32>
    %max3A_13 = arith.maximumf %add3A_11, %max3A_12 : vector<1000x1xf32>
    %rsqrt3A = math.rsqrt %max3A_13 : vector<1000x1xf32>
    %get3A_14 = arith.constant 0 : index
    %get3A_15 = arith.constant 0 : index
    %get3A_16 = arith.constant 0 : index
    %get3A_17 = vector.load %arg1[%get3A_14, %get3A_15, %get3A_16] : memref<1x1000x128xf32, #tpu.memory_space<vmem>>, vector<1x1000x128xf32>
    %get3A_18 = vector.shape_cast %get3A_17 : vector<1x1000x128xf32> to vector<1000x128xf32>
    %get3A_19 = arith.constant 0 : index
    %get3A_20 = arith.constant 0 : index
    %get3A_21 = arith.constant 0 : index
    %get3A_22 = vector.load %arg2[%get3A_19, %get3A_20, %get3A_21] : memref<1x1000x128xf32, #tpu.memory_space<vmem>>, vector<1x1000x128xf32>
    %get3A_23 = vector.shape_cast %get3A_22 : vector<1x1000x128xf32> to vector<1000x128xf32>
    %concatenate3A = tpu.concatenate %get3A_18, %get3A_23 in 1 : vector<1000x128xf32>, vector<1000x128xf32> -> vector<1000x256xf32>
    %get3A_24 = arith.constant 0 : index
    %get3A_25 = arith.constant 0 : index
    %get3A_26 = arith.constant 0 : index
    %get3A_27 = vector.load %arg3[%get3A_24, %get3A_25, %get3A_26] : memref<1x1000x128xf32, #tpu.memory_space<vmem>>, vector<1x1000x128xf32>
    %get3A_28 = vector.shape_cast %get3A_27 : vector<1x1000x128xf32> to vector<1000x128xf32>
    %get3A_29 = arith.constant 0 : index
    %get3A_30 = arith.constant 0 : index
    %get3A_31 = arith.constant 0 : index
    %get3A_32 = vector.load %arg4[%get3A_29, %get3A_30, %get3A_31] : memref<1x1000x128xf32, #tpu.memory_space<vmem>>, vector<1x1000x128xf32>
    %get3A_33 = vector.shape_cast %get3A_32 : vector<1x1000x128xf32> to vector<1000x128xf32>
    %concatenate3A_34 = tpu.concatenate %get3A_28, %get3A_33 in 1 : vector<1000x128xf32>, vector<1000x128xf32> -> vector<1000x256xf32>
    %add3A_35 = arith.addf %concatenate3A, %concatenate3A_34 : vector<1000x256xf32>
    %mul3A = vector.broadcast %rsqrt3A : vector<1000x1xf32> to vector<1000x256xf32>
    %mul3A_36 = arith.mulf %add3A_35, %mul3A : vector<1000x256xf32>
    %get3A_37 = arith.constant 0 : index
    %get3A_38 = arith.constant 0 : index
    %get3A_39 = vector.load %arg8[%get3A_37, %get3A_38] : memref<1x256xf32, #tpu.memory_space<vmem>>, vector<1x256xf32>
    %add3A_40 = vector.broadcast %get3A_39 : vector<1x256xf32> to vector<1000x256xf32>
    %add3A_41 = arith.addf %mul3A_36, %add3A_40 : vector<1000x256xf32>
    %get3A_42 = arith.constant 0 : index
    %get3A_43 = arith.constant 0 : index
    %get3A_44 = vector.load %arg9[%get3A_42, %get3A_43] : memref<1x256xf32, #tpu.memory_space<vmem>>, vector<1x256xf32>
    %mul3A_45 = vector.broadcast %get3A_44 : vector<1x256xf32> to vector<1000x256xf32>
    %mul3A_46 = arith.mulf %add3A_41, %mul3A_45 : vector<1000x256xf32>
    %get3A_47 = arith.constant 0 : index
    %get3A_48 = arith.constant 0 : index
    %get3A_49 = vector.load %arg10[%get3A_47, %get3A_48] : memref<1x256xf32, #tpu.memory_space<vmem>>, vector<1x256xf32>
    %add3A_50 = vector.broadcast %get3A_49 : vector<1x256xf32> to vector<1000x256xf32>
    %add3A_51 = arith.addf %mul3A_46, %add3A_50 : vector<1000x256xf32>
    %max3A_52 = arith.constant 0.000000e+00 : f32
    %max3A_53 = vector.broadcast %max3A_52 : f32 to vector<1000x256xf32>
    %max3A_54 = arith.maximumf %add3A_51, %max3A_53 : vector<1000x256xf32>
    %get3A_55 = arith.constant 0 : index
    %get3A_56 = arith.constant 0 : index
    %get3A_57 = vector.load %arg7[%get3A_55, %get3A_56] : memref<256x256xf32, #tpu.memory_space<vmem>>, vector<256x256xf32>
    %dot_general3A = arith.constant dense<0.000000e+00> : vector<1000x256xf32>
    %dot_general3A_58 = tpu.matmul %max3A_54, %get3A_57, %dot_general3A {dimension_numbers = #tpu.dot_dimension_numbers<[1], [0], [0], [1], [0, 0, 1, 1], [], []>, transpose_lhs_hint = false} : vector<1000x256xf32>, vector<256x256xf32>, vector<1000x256xf32> -> vector<1000x256xf32>
    %mul3A_59 = vector.broadcast %rsqrt3A : vector<1000x1xf32> to vector<1000x256xf32>
    %mul3A_60 = arith.mulf %dot_general3A_58, %mul3A_59 : vector<1000x256xf32>
    %slice3A_61 = vector.extract_strided_slice %mul3A_60 {offsets = [0, 0], sizes = [1000, 128], strides = [1, 1]} : vector<1000x256xf32> to vector<1000x128xf32>
    %swap3A = arith.constant 0 : index
    %swap3A_62 = arith.constant 0 : index
    %swap3A_63 = arith.constant 0 : index
    %swap3A_64 = vector.load %arg11[%swap3A, %swap3A_62, %swap3A_63] : memref<2x1000x128xf32, #tpu.memory_space<vmem>>, vector<1x1000x128xf32>
    %swap3A_65 = vector.shape_cast %swap3A_64 : vector<1x1000x128xf32> to vector<1000x128xf32>
    %swap3A_66 = vector.shape_cast %slice3A_61 : vector<1000x128xf32> to vector<1x1000x128xf32>
    tpu.vector_store %arg11[%swap3A, %swap3A_62, %swap3A_63], %swap3A_66 {strides = array<i32>} : memref<2x1000x128xf32, #tpu.memory_space<vmem>>, vector<1x1000x128xf32>,
    %slice3A_67 = vector.extract_strided_slice %mul3A_60 {offsets = [0, 128], sizes = [1000, 128], strides = [1, 1]} : vector<1000x256xf32> to vector<1000x128xf32>
    %swap3A_68 = arith.constant 1 : index
    %swap3A_69 = arith.constant 0 : index
    %swap3A_70 = arith.constant 0 : index
    %swap3A_71 = vector.load %arg11[%swap3A_68, %swap3A_69, %swap3A_70] : memref<2x1000x128xf32, #tpu.memory_space<vmem>>, vector<1x1000x128xf32>
    %swap3A_72 = vector.shape_cast %swap3A_71 : vector<1x1000x128xf32> to vector<1000x128xf32>
    %swap3A_73 = vector.shape_cast %slice3A_67 : vector<1000x128xf32> to vector<1x1000x128xf32>
    tpu.vector_store %arg11[%swap3A_68, %swap3A_69, %swap3A_70], %swap3A_73 {strides = array<i32>} : memref<2x1000x128xf32, #tpu.memory_space<vmem>>, vector<1x1000x128xf32>,
    return
  }
  func.func @transform_0(%arg0: i32) -> (i32, i32, i32) {
    %c0_i32 = arith.constant 0 : i32
    %c0_i32_0 = arith.constant 0 : i32
    %c0_i32_1 = arith.constant 0 : i32
    return %c0_i32, %arg0, %c0_i32_0 : i32, i32, i32
  }
  func.func @transform_1(%arg0: i32) -> (i32, i32, i32) {
    %c1_i32 = arith.constant 1 : i32
    %c0_i32 = arith.constant 0 : i32
    %c0_i32_0 = arith.constant 0 : i32
    return %c1_i32, %arg0, %c0_i32 : i32, i32, i32
  }
  func.func @transform_2(%arg0: i32) -> (i32, i32, i32) {
    %c0_i32 = arith.constant 0 : i32
    %c0_i32_0 = arith.constant 0 : i32
    %c0_i32_1 = arith.constant 0 : i32
    return %c0_i32, %arg0, %c0_i32_0 : i32, i32, i32
  }
  func.func @transform_3(%arg0: i32) -> (i32, i32, i32) {
    %c1_i32 = arith.constant 1 : i32
    %c0_i32 = arith.constant 0 : i32
    %c0_i32_0 = arith.constant 0 : i32
    return %c1_i32, %arg0, %c0_i32 : i32, i32, i32
  }
  func.func @transform_4(%arg0: i32) -> (i32, i32, i32) {
    %c0_i32 = arith.constant 0 : i32
    %c0_i32_0 = arith.constant 0 : i32
    %c0_i32_1 = arith.constant 0 : i32
    return %c0_i32, %arg0, %c0_i32_0 : i32, i32, i32
  }
  func.func @transform_5(%arg0: i32) -> (i32, i32, i32) {
    %c1_i32 = arith.constant 1 : i32
    %c0_i32 = arith.constant 0 : i32
    %c0_i32_0 = arith.constant 0 : i32
    return %c1_i32, %arg0, %c0_i32 : i32, i32, i32
  }
  func.func @transform_6(%arg0: i32) -> (i32, i32) {
    %c0_i32 = arith.constant 0 : i32
    %c0_i32_0 = arith.constant 0 : i32
    %c0_i32_1 = arith.constant 0 : i32
    return %c0_i32, %c0_i32_0 : i32, i32
  }
  func.func @transform_7(%arg0: i32) -> (i32, i32) {
    %c0_i32 = arith.constant 0 : i32
    %c0_i32_0 = arith.constant 0 : i32
    %c0_i32_1 = arith.constant 0 : i32
    return %c0_i32, %c0_i32_0 : i32, i32
  }
  func.func @transform_8(%arg0: i32) -> (i32, i32) {
    %c0_i32 = arith.constant 0 : i32
    %c0_i32_0 = arith.constant 0 : i32
    %c0_i32_1 = arith.constant 0 : i32
    return %c0_i32, %c0_i32_0 : i32, i32
  }
  func.func @transform_9(%arg0: i32) -> (i32, i32) {
    %c0_i32 = arith.constant 0 : i32
    %c0_i32_0 = arith.constant 0 : i32
    %c0_i32_1 = arith.constant 0 : i32
    return %c0_i32, %c0_i32_0 : i32, i32
  }
  func.func @transform_10(%arg0: i32) -> (i32, i32, i32) {
    %c0_i32 = arith.constant 0 : i32
    %c0_i32_0 = arith.constant 0 : i32
    %c0_i32_1 = arith.constant 0 : i32
    return %c0_i32, %arg0, %c0_i32_0 : i32, i32, i32
  }
}

module attributes {stable_mosaic.version = 14 : i64} {
  func.func @_tc3_body(%arg0: i32, %arg1: memref<1x1000x128xf32, #tpu.memory_space<vmem>>, %arg2: memref<1x1000x128xf32, #tpu.memory_space<vmem>>, %arg3: memref<1x1000x128xf32, #tpu.memory_space<vmem>>, %arg4: memref<1x1000x128xf32, #tpu.memory_space<vmem>>, %arg5: memref<1x1000x128xf32, #tpu.memory_space<vmem>>, %arg6: memref<1x1000x128xf32, #tpu.memory_space<vmem>>, %arg7: memref<256x128xf32, #tpu.memory_space<vmem>>, %arg8: memref<1x256xf32, #tpu.memory_space<vmem>>, %arg9: memref<1x256xf32, #tpu.memory_space<vmem>>, %arg10: memref<1x256xf32, #tpu.memory_space<vmem>>, %arg11: memref<1x128xf32, #tpu.memory_space<vmem>>, %arg12: memref<1000x128xf32, #tpu.memory_space<vmem>>) attributes {dimension_semantics = [#tpu.dimension_semantics<arbitrary>], iteration_bounds = array<i64: 10>, scalar_prefetch = 0 : i64, scratch_operands = 0 : i64, tpu.core_type = #tpu.core_type<tc>, window_params = [{transform_indices = @transform_0, window_bounds = array<i64: 1, 1000, 128>}, {transform_indices = @transform_1, window_bounds = array<i64: 1, 1000, 128>}, {transform_indices = @transform_2, window_bounds = array<i64: 1, 1000, 128>}, {transform_indices = @transform_3, window_bounds = array<i64: 1, 1000, 128>}, {transform_indices = @transform_4, window_bounds = array<i64: 1, 1000, 128>}, {transform_indices = @transform_5, window_bounds = array<i64: 1, 1000, 128>}, {pipeline_mode = #tpu.pipeline_mode<synchronous>, transform_indices = @transform_6, window_bounds = array<i64: 256, 128>}, {pipeline_mode = #tpu.pipeline_mode<synchronous>, transform_indices = @transform_7, window_bounds = array<i64: 1, 256>}, {pipeline_mode = #tpu.pipeline_mode<synchronous>, transform_indices = @transform_8, window_bounds = array<i64: 1, 256>}, {pipeline_mode = #tpu.pipeline_mode<synchronous>, transform_indices = @transform_9, window_bounds = array<i64: 1, 256>}, {pipeline_mode = #tpu.pipeline_mode<synchronous>, transform_indices = @transform_10, window_bounds = array<i64: 1, 128>}, {transform_indices = @transform_11, window_bounds = array<i64: 1000, 128>}]} {
    %get3A = arith.constant 0 : index
    %get3A_0 = arith.constant 0 : index
    %get3A_1 = arith.constant 0 : index
    %get3A_2 = vector.load %arg5[%get3A, %get3A_0, %get3A_1] : memref<1x1000x128xf32, #tpu.memory_space<vmem>>, vector<1x1000x128xf32>
    %get3A_3 = arith.constant 0 : index
    %get3A_4 = arith.constant 0 : index
    %get3A_5 = arith.constant 0 : index
    %get3A_6 = vector.load %arg6[%get3A_3, %get3A_4, %get3A_5] : memref<1x1000x128xf32, #tpu.memory_space<vmem>>, vector<1x1000x128xf32>
    %squeeze3A = vector.shape_cast %get3A_2 : vector<1x1000x128xf32> to vector<1000x128xf32>
    %slice3A = vector.extract_strided_slice %squeeze3A {offsets = [0, 0], sizes = [1000, 1], strides = [1, 1]} : vector<1000x128xf32> to vector<1000x1xf32>
    %squeeze3A_7 = vector.shape_cast %get3A_6 : vector<1x1000x128xf32> to vector<1000x128xf32>
    %slice3A_8 = vector.extract_strided_slice %squeeze3A_7 {offsets = [0, 0], sizes = [1000, 1], strides = [1, 1]} : vector<1000x128xf32> to vector<1000x1xf32>
    %add3A = arith.addf %slice3A, %slice3A_8 : vector<1000x1xf32>
    %add3A_9 = arith.constant 1.000000e+00 : f32
    %add3A_10 = vector.broadcast %add3A_9 : f32 to vector<1000x1xf32>
    %add3A_11 = arith.addf %add3A, %add3A_10 : vector<1000x1xf32>
    %max3A = arith.constant 1.000000e+00 : f32
    %max3A_12 = vector.broadcast %max3A : f32 to vector<1000x1xf32>
    %max3A_13 = arith.maximumf %add3A_11, %max3A_12 : vector<1000x1xf32>
    %rsqrt3A = math.rsqrt %max3A_13 : vector<1000x1xf32>
    %get3A_14 = arith.constant 0 : index
    %get3A_15 = arith.constant 0 : index
    %get3A_16 = arith.constant 0 : index
    %get3A_17 = vector.load %arg1[%get3A_14, %get3A_15, %get3A_16] : memref<1x1000x128xf32, #tpu.memory_space<vmem>>, vector<1x1000x128xf32>
    %get3A_18 = vector.shape_cast %get3A_17 : vector<1x1000x128xf32> to vector<1000x128xf32>
    %get3A_19 = arith.constant 0 : index
    %get3A_20 = arith.constant 0 : index
    %get3A_21 = arith.constant 0 : index
    %get3A_22 = vector.load %arg2[%get3A_19, %get3A_20, %get3A_21] : memref<1x1000x128xf32, #tpu.memory_space<vmem>>, vector<1x1000x128xf32>
    %get3A_23 = vector.shape_cast %get3A_22 : vector<1x1000x128xf32> to vector<1000x128xf32>
    %concatenate3A = tpu.concatenate %get3A_18, %get3A_23 in 1 : vector<1000x128xf32>, vector<1000x128xf32> -> vector<1000x256xf32>
    %get3A_24 = arith.constant 0 : index
    %get3A_25 = arith.constant 0 : index
    %get3A_26 = arith.constant 0 : index
    %get3A_27 = vector.load %arg3[%get3A_24, %get3A_25, %get3A_26] : memref<1x1000x128xf32, #tpu.memory_space<vmem>>, vector<1x1000x128xf32>
    %get3A_28 = vector.shape_cast %get3A_27 : vector<1x1000x128xf32> to vector<1000x128xf32>
    %get3A_29 = arith.constant 0 : index
    %get3A_30 = arith.constant 0 : index
    %get3A_31 = arith.constant 0 : index
    %get3A_32 = vector.load %arg4[%get3A_29, %get3A_30, %get3A_31] : memref<1x1000x128xf32, #tpu.memory_space<vmem>>, vector<1x1000x128xf32>
    %get3A_33 = vector.shape_cast %get3A_32 : vector<1x1000x128xf32> to vector<1000x128xf32>
    %concatenate3A_34 = tpu.concatenate %get3A_28, %get3A_33 in 1 : vector<1000x128xf32>, vector<1000x128xf32> -> vector<1000x256xf32>
    %add3A_35 = arith.addf %concatenate3A, %concatenate3A_34 : vector<1000x256xf32>
    %mul3A = vector.broadcast %rsqrt3A : vector<1000x1xf32> to vector<1000x256xf32>
    %mul3A_36 = arith.mulf %add3A_35, %mul3A : vector<1000x256xf32>
    %get3A_37 = arith.constant 0 : index
    %get3A_38 = arith.constant 0 : index
    %get3A_39 = vector.load %arg8[%get3A_37, %get3A_38] : memref<1x256xf32, #tpu.memory_space<vmem>>, vector<1x256xf32>
    %add3A_40 = vector.broadcast %get3A_39 : vector<1x256xf32> to vector<1000x256xf32>
    %add3A_41 = arith.addf %mul3A_36, %add3A_40 : vector<1000x256xf32>
    %get3A_42 = arith.constant 0 : index
    %get3A_43 = arith.constant 0 : index
    %get3A_44 = vector.load %arg9[%get3A_42, %get3A_43] : memref<1x256xf32, #tpu.memory_space<vmem>>, vector<1x256xf32>
    %mul3A_45 = vector.broadcast %get3A_44 : vector<1x256xf32> to vector<1000x256xf32>
    %mul3A_46 = arith.mulf %add3A_41, %mul3A_45 : vector<1000x256xf32>
    %get3A_47 = arith.constant 0 : index
    %get3A_48 = arith.constant 0 : index
    %get3A_49 = vector.load %arg10[%get3A_47, %get3A_48] : memref<1x256xf32, #tpu.memory_space<vmem>>, vector<1x256xf32>
    %add3A_50 = vector.broadcast %get3A_49 : vector<1x256xf32> to vector<1000x256xf32>
    %add3A_51 = arith.addf %mul3A_46, %add3A_50 : vector<1000x256xf32>
    %get3A_52 = arith.constant 0 : index
    %get3A_53 = arith.constant 0 : index
    %get3A_54 = vector.load %arg7[%get3A_52, %get3A_53] : memref<256x128xf32, #tpu.memory_space<vmem>>, vector<256x128xf32>
    %dot_general3A = arith.constant dense<0.000000e+00> : vector<1000x128xf32>
    %dot_general3A_55 = tpu.matmul %add3A_51, %get3A_54, %dot_general3A {dimension_numbers = #tpu.dot_dimension_numbers<[1], [0], [0], [1], [0, 0, 1, 1], [], []>, transpose_lhs_hint = false} : vector<1000x256xf32>, vector<256x128xf32>, vector<1000x128xf32> -> vector<1000x128xf32>
    %get3A_56 = arith.constant 0 : index
    %get3A_57 = arith.constant 0 : index
    %get3A_58 = vector.load %arg11[%get3A_56, %get3A_57] : memref<1x128xf32, #tpu.memory_space<vmem>>, vector<1x128xf32>
    %add3A_59 = vector.broadcast %get3A_58 : vector<1x128xf32> to vector<1000x128xf32>
    %add3A_60 = arith.addf %dot_general3A_55, %add3A_59 : vector<1000x128xf32>
    %swap3A = arith.constant 0 : index
    %swap3A_61 = arith.constant 0 : index
    %swap3A_62 = vector.load %arg12[%swap3A, %swap3A_61] : memref<1000x128xf32, #tpu.memory_space<vmem>>, vector<1000x128xf32>
    tpu.vector_store %arg12[%swap3A, %swap3A_61], %add3A_60 {strides = array<i32>} : memref<1000x128xf32, #tpu.memory_space<vmem>>, vector<1000x128xf32>,
    return
  }
  func.func @transform_0(%arg0: i32) -> (i32, i32, i32) {
    %c0_i32 = arith.constant 0 : i32
    %c0_i32_0 = arith.constant 0 : i32
    %c0_i32_1 = arith.constant 0 : i32
    return %c0_i32, %arg0, %c0_i32_0 : i32, i32, i32
  }
  func.func @transform_1(%arg0: i32) -> (i32, i32, i32) {
    %c1_i32 = arith.constant 1 : i32
    %c0_i32 = arith.constant 0 : i32
    %c0_i32_0 = arith.constant 0 : i32
    return %c1_i32, %arg0, %c0_i32 : i32, i32, i32
  }
  func.func @transform_2(%arg0: i32) -> (i32, i32, i32) {
    %c0_i32 = arith.constant 0 : i32
    %c0_i32_0 = arith.constant 0 : i32
    %c0_i32_1 = arith.constant 0 : i32
    return %c0_i32, %arg0, %c0_i32_0 : i32, i32, i32
  }
  func.func @transform_3(%arg0: i32) -> (i32, i32, i32) {
    %c1_i32 = arith.constant 1 : i32
    %c0_i32 = arith.constant 0 : i32
    %c0_i32_0 = arith.constant 0 : i32
    return %c1_i32, %arg0, %c0_i32 : i32, i32, i32
  }
  func.func @transform_4(%arg0: i32) -> (i32, i32, i32) {
    %c0_i32 = arith.constant 0 : i32
    %c0_i32_0 = arith.constant 0 : i32
    %c0_i32_1 = arith.constant 0 : i32
    return %c0_i32, %arg0, %c0_i32_0 : i32, i32, i32
  }
  func.func @transform_5(%arg0: i32) -> (i32, i32, i32) {
    %c1_i32 = arith.constant 1 : i32
    %c0_i32 = arith.constant 0 : i32
    %c0_i32_0 = arith.constant 0 : i32
    return %c1_i32, %arg0, %c0_i32 : i32, i32, i32
  }
  func.func @transform_6(%arg0: i32) -> (i32, i32) {
    %c0_i32 = arith.constant 0 : i32
    %c0_i32_0 = arith.constant 0 : i32
    %c0_i32_1 = arith.constant 0 : i32
    return %c0_i32, %c0_i32_0 : i32, i32
  }
  func.func @transform_7(%arg0: i32) -> (i32, i32) {
    %c0_i32 = arith.constant 0 : i32
    %c0_i32_0 = arith.constant 0 : i32
    %c0_i32_1 = arith.constant 0 : i32
    return %c0_i32, %c0_i32_0 : i32, i32
  }
  func.func @transform_8(%arg0: i32) -> (i32, i32) {
    %c0_i32 = arith.constant 0 : i32
    %c0_i32_0 = arith.constant 0 : i32
    %c0_i32_1 = arith.constant 0 : i32
    return %c0_i32, %c0_i32_0 : i32, i32
  }
  func.func @transform_9(%arg0: i32) -> (i32, i32) {
    %c0_i32 = arith.constant 0 : i32
    %c0_i32_0 = arith.constant 0 : i32
    %c0_i32_1 = arith.constant 0 : i32
    return %c0_i32, %c0_i32_0 : i32, i32
  }
  func.func @transform_10(%arg0: i32) -> (i32, i32) {
    %c0_i32 = arith.constant 0 : i32
    %c0_i32_0 = arith.constant 0 : i32
    %c0_i32_1 = arith.constant 0 : i32
    return %c0_i32, %c0_i32_0 : i32, i32
  }
  func.func @transform_11(%arg0: i32) -> (i32, i32) {
    %c0_i32 = arith.constant 0 : i32
    %c0_i32_0 = arith.constant 0 : i32
    return %arg0, %c0_i32 : i32, i32
  }
}

</mosaic_0001>

<sc_bundles>
// kernel: kernel.11.cloned.1.call-start
scs
__scs_entry_jumppad:
0x0: {  	(pc) =	sbr.rel $0x88, $3  }
0x1: {  	(tag) =	ssettag $0x0;
	lr =	simm.s32 $0x1  }
0x2: {  	[smem:$0x3F95] =	sst lr;
	_ =	strace $0xD0000000  }
0x3: {  	_ = 	snop  }
0x4: {  	_ = 	snop  }
0x5: {  	_ = 	snop  }
0x6: {  	_ = 	snop  }
0x7: {  	_ = 	snop  }
__scs_overlays_trampoline_lowered:
0x8: {  	[smem:$0x3FA4] =	sst s0  }
0x9: {  	[smem:$0x3FA5] =	sst s1  }
0xa: {  	[smem:$0x3FA6] =	sst s2  }
0xb: {  	[smem:$0x3FA7] =	sst s3  }
0xc: {  	[smem:$0x3FA8] =	sst s4  }
0xd: {  	[smem:$0x3FA9] =	sst s5  }
0xe: {  	[smem:$0x3FAA] =	sst s6  }
0xf: {  	[smem:$0x3FAB] =	sst s7  }
0x10: {  	[smem:$0x3FAC] =	sst s8  }
0x11: {  	[smem:$0x3FAD] =	sst s9;
	s0 =	simm.s32 @!p0 $0x0  }
0x12: {  	s1 =	sld [smem:$0x3F93];
	s0 =	simm.s32 @p0 $0x1  }
0x13: {  	[smem:$0x3FAE] =	sst s0;
	s0 =	simm.s32 @!p1 $0x0  }
0x14: {  	s2 =	sld [smem:$0x3F92];
	s0 =	simm.s32 @p1 $0x1  }
0x15: {  	[smem:$0x3FAF] =	sst s0;
	s0 =	simm.s32 @!p2 $0x0  }
0x16: {  	s3 =	sld [smem:$0x3FDB];
	s0 =	simm.s32 @p2 $0x1  }
0x17: {  	s4 =	simm.s32 $0x1BF5;
	[smem:$0x3FB1] =	sst s0  }
0x18: {  	s0 =	sld [smem:$0x3F94];
	_ =	swait.ge [sflag:s4], $0x0  }
0x19: {  	s7 =	sld [smem:$0x3F95]  }
0x1a: {  	s8 =	sadd.s32 $0xFFFFE003, lr  }
0x1b: {  	s9 =	sadd.s32 $0xFFFFFEF7, lr;
	s5 =	simm.s32 $0xFFFFFFFF;
	p2 =	slt.u32 s8, $0xFFFFF086  }
0x1c: {  	p1 =	slt.u32 s9, $0xF7A;
	s5 =	simm.s32 @!p2 $0x0  }
0x1d: {  	s5 =	simm.s32 @p1 $0x1;
	p0 =	seq.s32 s7, s2  }
0x1e: {  	s7 =	smul.u32 @!p0 $0xF7A, s2;
	p2 =	seq.s32 @!p0 s5, $0x0  }
0x1f: {  	s9 =	smul.u32 $0xF7A, s1;
	s8 =	simm.s32 @!p0 $0x1BF5;
	p2 =	por !p2, p0  }
0x20: {  	[sflag:s8] =	ssyncset.s32 @!p0 $0xFFFFF086;
	s6 =	sadd.s32 @!p0 s3, s7;
	s7 =	simm.s32 @!p0 $0x108  }
0x21: {  	s3 =	sadd.s32 s3, s9;
	s6 =	sadd.s32 @!p0 $0x88, s6;
	s7 =	simm.s32 @p2 $0x1082  }
0x22: {  	[simem:s7], [sflag:s8] =	dma.local @!p0 [hbm:s6], $0xF7A  }
0x23: {  	s9 =	sor.u32 $0xD0000000, s2;
	s6 =	simm.s32 $0x108;
	_ =	swait.ge @!p0 [sflag:s8], $0x0  }
0x24: {  	s3 =	sadd.s32 $0x88, s3;
	s6 =	simm.s32 @!p1 $0x1082;
	[sflag:s4] =	ssyncset.s32 $0xFFFFF086  }
0x25: {  	[simem:s6], [sflag:s4] =	dma.local [hbm:s3], $0xF7A  }
0x26: {  	[smem:$0x3F95] =	sst s1;
	(tag) =	ssettag s2;
	_ =	strace s9  }
0x27: {  	s1 =	sld [smem:$0x3FA5]  }
0x28: {  	s2 =	sld [smem:$0x3FA6]  }
0x29: {  	s4 =	sld [smem:$0x3FA8]  }
0x2a: {  	p0 =	seq.s32 s5, $0x0;
	s5 =	sld [smem:$0x3FA9]  }
0x2b: {  	s6 =	sld [smem:$0x3FAA]  }
0x2c: {  	s7 =	sld [smem:$0x3FAB]  }
0x2d: {  	s3 =	simm.s32 $0x108;
	s8 =	sld [smem:$0x3FAC]  }
0x2e: {  	s3 =	simm.s32 @!p0 $0x1082;
	s9 =	sld [smem:$0x3FAD]  }
0x2f: {  	lr =	sadd.s32 s0, s3;
	s0 =	sld [smem:$0x3FA4]  }
0x30: {  	s3 =	sld [smem:$0x3FA7]  }
0x31: {  	[smem:$0x3FB0] =	sst s10  }
0x32: {  	s10 =	sld [smem:$0x3FAE];
	_ =	sdelay $0x3  }
0x33: {  	p0 =	seq.s32 s10, $0x1;
	s10 =	sld [smem:$0x3FB0];
	_ =	sdelay $0x3  }
0x34: {  	[smem:$0x3FB0] =	sst s10  }
0x35: {  	s10 =	sld [smem:$0x3FAF];
	_ =	sdelay $0x3  }
0x36: {  	p1 =	seq.s32 s10, $0x1;
	s10 =	sld [smem:$0x3FB0];
	_ =	sdelay $0x3  }
0x37: {  	[smem:$0x3FB0] =	sst s10  }
0x38: {  	s10 =	sld [smem:$0x3FB1]  }
0x39: {  	_ = 	snop;
	(pc) =	sbr.ind lr, $3  }
0x3a: {  	_ = 	snop  }
0x3b: {  	_ = 	snop  }
0x3c: {  	p2 =	seq.s32 s10, $0x1;
	s10 =	sld [smem:$0x3FB0]  }
0x3d: {  	_ =	shalt  }
0x3e: {  	_ =	shalt  }
0x3f: {  	_ =	shalt  }
0x40: {  	_ =	shalt  }
0x41: {  	_ =	shalt  }
0x42: {  	_ =	shalt  }
0x43: {  	_ =	shalt  }
0x44: {  	_ =	shalt  }
0x45: {  	_ =	shalt  }
0x46: {  	_ =	shalt  }
0x47: {  	_ =	shalt  }
0x48: {  	_ =	shalt  }
0x49: {  	_ =	shalt  }
0x4a: {  	_ =	shalt  }
0x4b: {  	_ =	shalt  }
0x4c: {  	_ =	shalt  }
0x4d: {  	_ =	shalt  }
0x4e: {  	_ =	shalt  }
0x4f: {  	_ =	shalt  }
0x50: {  	_ =	shalt  }
0x51: {  	_ =	shalt  }
0x52: {  	_ =	shalt  }
0x53: {  	_ =	shalt  }
0x54: {  	_ =	shalt  }
0x55: {  	_ =	shalt  }
0x56: {  	_ =	shalt  }
0x57: {  	_ =	shalt  }
0x58: {  	_ =	shalt  }
0x59: {  	_ =	shalt  }
0x5a: {  	_ =	shalt  }
0x5b: {  	_ =	shalt  }
0x5c: {  	_ =	shalt  }
0x5d: {  	_ =	shalt  }
0x5e: {  	_ =	shalt  }
0x5f: {  	_ =	shalt  }
0x60: {  	_ =	shalt  }
0x61: {  	_ =	shalt  }
0x62: {  	_ =	shalt  }
0x63: {  	_ =	shalt  }
0x64: {  	_ =	shalt  }
0x65: {  	_ =	shalt  }
0x66: {  	_ =	shalt  }
0x67: {  	_ =	shalt  }
0x68: {  	_ =	shalt  }
0x69: {  	_ =	shalt  }
0x6a: {  	_ =	shalt  }
0x6b: {  	_ =	shalt  }
0x6c: {  	_ =	shalt  }
0x6d: {  	_ =	shalt  }
0x6e: {  	_ =	shalt  }
0x6f: {  	_ =	shalt  }
0x70: {  	_ =	shalt  }
0x71: {  	_ =	shalt  }
0x72: {  	_ =	shalt  }
0x73: {  	_ =	shalt  }
0x74: {  	_ =	shalt  }
0x75: {  	_ =	shalt  }
0x76: {  	_ =	shalt  }
0x77: {  	_ =	shalt  }
0x78: {  	_ =	shalt  }
0x79: {  	_ =	shalt  }
0x7a: {  	_ =	shalt  }
0x7b: {  	_ =	shalt  }
0x7c: {  	_ =	shalt  }
0x7d: {  	_ =	shalt  }
0x7e: {  	_ =	shalt  }
0x7f: {  	_ =	shalt  }
0x80: {  	_ =	shalt  }
0x81: {  	_ =	shalt  }
0x82: {  	_ =	shalt  }
0x83: {  	_ =	shalt  }
0x84: {  	_ =	shalt  }
0x85: {  	_ =	shalt  }
0x86: {  	_ =	shalt  }
0x87: {  	_ =	shalt  }
.Lfunc_end0:
.L_simem_size_0:
called_computation.1_lowered:
.L_overlay_start_0:
0x88: {  	s2 =	sld [smem:$0x3FD9]  }
0x89: {  	s3 =	sld [smem:$0x3FFE];
	_ =	sdelay $0x1  }
0x8a: {  	s1 =	srdreg.scid  }
0x8b: {  	s0 =	sand.u32 $0x1, s1  }
0x8c: {  	s17 =	sshll.u32 s0, $0xA;
	s2 =	sadd.s32 s3, s2  }
0x8d: {  	s2 =	sadd.s32 s2, s17  }
0x8e: {  	[smem:$0x3FBC] =	sst s2  }
0x8f: {  	_ = 	snop  }
0x90: {  	s2 =	sld [smem:$0x3FD0];
	(tm) =	ssettm $0x1  }
0x91: {  	s18 =	sld [smem:$0x3FFB];
	_ =	sdelay $0x3  }
0x92: {  	_ =	strace s18  }
0x93: {  	s3 =	sld [smem:$0x3FFC];
	_ =	sdelay $0x3  }
0x94: {  	_ =	strace s3  }
0x95: {  	s3 =	sld [smem:$0x3FFD];
	_ =	sdelay $0x3  }
0x96: {  	_ =	strace s3  }
0x97: {  	_ =	strace $0x8FFFFFFF  }
0x98: {  	s19 =	sld [smem:$0x3FDB];
	_ =	sdelay $0x1  }
0x99: {  	s4 =	simm.s32 $_scs_section_size  }
0x9a: {  	s5 =	simm.s32 $_size__tile_overlayer_lowered;
	s6 =	simm.s32 $_tile_overlayer_lowered  }
0x9b: {  	s22 =	simm.s32 $0x1BFF;
	s21 =	sshll.u32 s6, $0x1;
	s3 =	sadd.s32 s4, s19  }
0x9c: {  	s7 =	simm.s32 $0x0;
	s20 =	sshll.u32 s5, $0x1;
	s5 =	sadd.s32 s21, s3  }
0x9d: {  	[timem:s7], [sflag:s22] =	dma.local [hbm:s5], s20  }
0x9e: {  	_ =	swait.ge [sflag:s22], s20  }
0x9f: {  	s4 =	ssub.s32 $0x0, s20;
	[sflag:s22] =	ssyncset.done $0x0  }
0xa0: {  	[sflag:s22] =	ssyncadd.s32 s4;
	_ =	sdelay $0x1  }
0xa1: {  	s23 =	simm.s32 $0x1B8B  }
0xa2: {  	_ =	swait.ge [sflag:s23], $0x1  }
0xa3: {  	[sflag:s23] =	ssyncset.done $0x0  }
0xa4: {  	s25 =	simm.s32 $0x1B8E;
	s24 =	sld [smem:$0x3FFE];
	[sflag:s23] =	ssyncadd.s32 $0xFFFFFFFF  }
0xa5: {  	s26 =	simm.s32 $execute0_lowered;
	[smem:$0x3FD2] =	sst s25  }
0xa6: {  	s5 =	sshll.u32 s26, $0x1;
	_ =	strace $0x80000049;
	[dreg:$0x1] =	wrdreg $0xFFFFFFFF  }
0xa7: {  	s28 =	simm.s32 $_size_execute0_lowered;
	s3 =	sadd.s32 s3, s5;
	[dreg:$0x0] =	wrdreg $0x0  }
0xa8: {  	s5 =	sshll.u32 s28, $0x1;
	[dreg:$0x2] =	wrdreg s3  }
0xa9: {  	[dreg:$0x3] =	wrdreg s5  }
0xaa: {  	[dreg:$0x4] =	wrdreg $0xC0  }
0xab: {  	_ =	task [dreg:s7], $0x5FFFF  }
0xac: {  	[dreg:$0x1] =	wrdreg $0xFFFFFFFF  }
0xad: {  	[dreg:$0x0] =	wrdreg $0x60  }
0xae: {  	[dreg:$0x2] =	wrdreg s24  }
0xaf: {  	[dreg:$0x3] =	wrdreg s2  }
0xb0: {  	[dreg:$0x4] =	wrdreg $0x90000  }
0xb1: {  	[dreg:$0x5] =	wrdreg $0x9  }
0xb2: {  	_ =	task.clear_ibuf [dreg:s7], $0x6FFFF;
	_ =	strace $0x90000049  }
0xb3: {  	s29 =	simm.s32 $0x9;
	_ =	strace $0x8000004B  }
0xb4: {  	_ =	swait.ge [sflag:s29], $0x1  }
0xb5: {  	[sflag:s29] =	ssyncadd.s32 $0xFFFFFFFF  }
0xb6: {  	_ =	strace $0x9000004B  }
0xb7: {  	_ =	sfence  }
0xb8: {  	s30 =	sld [smem:$0x0];
	_ =	sdelay $0x2  }
0xb9: {  	s31 =	sshll.u32 s1, $0xD;
	s1 =	sshrl.u32 s1, $0x2  }
0xba: {  	s3 =	sand.u32 $0x4000, s31;
	s1 =	sadd.s32 s1, s30  }
0xbb: {  	s0 =	sor.u32 s3, s0;
	s1 =	sshll.u32 s1, $0x11  }
0xbc: {  	s0 =	sor.u32 s1, s0  }
0xbd: {  	s0 =	sadd.s32 $0x8F2B, s0  }
0xbe: {  	[sflag:s0] =	ssyncadd.remote.s32 $0x1  }
0xbf: {  	_ =	sfence.sel $0xFFFF  }
0xc0: {  	[dreg:$0x0] =	wrdreg $0xFFFFFFFF;
	(pc) =	sbr.abs _section_cstart, $3  }
0xc1: {  	[dreg:$0x1] =	wrdreg $0xFFFFFFFF  }
0xc2: {  	_ =	task.clear_ibuf [dreg:s7], $0x2FFFF;
	_ =	strace $0x9FFFFFFF  }
0xc3: {  	(tm) =	ssettm $0x7FFFFFFF  }
tec
execute0_lowered:
.L_overlay_start_1:
0x0: {  	(tag) =	ssettag $0x1  }
0x1: {  	s7 =	rddreg [dreg:$0x0]  }
0x2: {  	s9 =	rddreg [dreg:$0x1]  }
0x3: {  	s2 =	rddreg [dreg:$0x2]  }
0x4: {  	s0 =	rddreg [dreg:$0x3];
	s3 =	simm.s32 $0x0  }
0x5: {  	s1 =	stileid.u32;
	s5 =	srdreg.scid;
	s17 =	simm.s32 $0x2  }
0x6: {  	s18 =	simm.s32 $0x2800;
	s20 =	simm.s32 $0x80;
	s21 =	simm.s32 $0x1  }
0x7: {  	s24 =	simm.s32 $0x0;
	[smem:$0x7FF] =	sst s3;
	s10 =	smul.u32 $0x500, s1  }
0x8: {  	s4 =	sadd.s32 $0xCDC00, s7;
	s19 =	sand.u32 $0x1, s5;
	s5 =	sadd.s32 $0xA6A00, s7  }
0x9: {  	s12 =	smul.u32 $0x50000, s1;
	s6 =	sadd.s32 $0xF4E00, s7;
	s22 =	sshll.u32 s1, $0x6  }
0xa: {  	_ =	strace $0x8000004A;
	s11 =	ssub.s32 $0x2, s19;
	p0 =	sne.s32 s19, $0x0  }
0xb: {  	s19 =	simm.s32 $0x5000;
	s22 =	sor.u32 $0x1C02, s22;
	s8 =	sadd.s32 s10, s7  }
.Ltmp0:
0xc: {  	s7 =	sadd.s32 $0x11CE00, s7;
	s13 =	sshrl.u32 s11, $0x1;
	(pc) =	sbr.rel .LBB2_1-.Ltmp0, $4  }
0xd: {  	s31 =	sshrl.u32 s12, $0x2;
	s9 =	sadd.s32 s9, s10;
	s13 =	ssub.s32 s11, s13  }
0xe: {  	s8 =	sadd.s32 $0x53800, s8;
	s10 =	sadd.s32 s31, s2;
	s11 =	smul.u32 $0x2800, s1  }
0xf: {  	s12 =	smax.u32 s13, $0x1;
	s13 =	sadd.s32 $0x4000, s10;
	s14 =	sadd.s32 $0x8000, s10  }
0x10: {  	v0 =	vimm.f32 $0.0e+00;
	s15 =	sadd.s32 $0xC000, s10;
	s16 =	sadd.s32 $0x10000, s10;
	s23 =	sshrl.u32 s10, $0x3  }
.LBB2_9:
0x11: {  	s25 =	sshra.s32 s25, $0x2;
	[sflag:s17] =	ssyncadd.s32 $0xFFFFC000  }
0x12: {  	[tilespmem:s19], [sflag:$0x1] =	stream.indirect.gather [hbm4b:s5+s20], $0x80, s25, s20, $0xb8;
	[tilespmem:$0x1D000] =	vst v63  }
0x13: {  	_ =	swait.ge [sflag:s21], $0x4000  }
0x14: {  	[sflag:s21] =	ssyncset.done $0x0  }
0x15: {  	s25 =	sadd.s32 $0x2800, s25;
	[sflag:s21] =	ssyncadd.s32 $0xFFFFC000  }
0x16: {  	[spmem:s2] =	stream.indirect.scatter.add.f32 [tilespmem:s19], [sflag:$0x2], $0x80, s25, s20, $0xb8;
	[tilespmem:$0x1D000] =	vst v63  }
0x17: {  	_ =	swait.ge [sflag:s17], $0x4000  }
0x18: {  	[sflag:s17] =	ssyncset.done $0x0  }
0x19: {  	s25 =	smov.u32 s7;
	[sflag:s17] =	ssyncadd.s32 $0xFFFFC000  }
.LBB2_10:
0x1a: {  	s24 =	sadd.s32 $0x1, s24  }
0x1b: {  	p1 =	sne.s32 s24, s12  }
.Ltmp1:
0x1c: {  	s25 =	sadd.s32 s25, s11;
	[bflag:$0x0] =	sbarrier.arrive $0xFFFF;
	(pc) =	sbr.rel @!p1 .LBB2_11-.Ltmp1, $4  }
0x1d: {  	[hbm:s25], [sflag:s22] =	dma.local [spmem:s23], $0x2800  }
0x1e: {  	_ =	swait.ge [sflag:s17], $0x2800  }
0x1f: {  	[sflag:s17] =	ssyncset.done $0x0  }
0x20: {  	[sflag:s17] =	ssyncadd.s32 $0xFFFFD800  }
.LBB2_1:
0x21: {  	[tilespmem:s3], [sflag:$0x2] =	stream.linear.gather [hbm4b:s8+s3], $0x2800, $0x38;
	[tilespmem:$0x1D000] =	vst v63  }
0x22: {  	_ =	swait.ge [sflag:s17], $0x2800  }
0x23: {  	[sflag:s17] =	ssyncset.done $0x0  }
0x24: {  	[sflag:s17] =	ssyncadd.s32 $0xFFFFD800  }
0x25: {  	[tilespmem:s18], [sflag:$0x2] =	stream.linear.gather [hbm4b:s9+s3], $0x2800, $0x38;
	[tilespmem:$0x1D000] =	vst v63  }
0x26: {  	_ =	swait.ge [sflag:s17], $0x2800  }
0x27: {  	[sflag:s17] =	ssyncset.done $0x0  }
0x28: {  	s25 =	simm.s32 $0x0;
	s26 =	simm.s32 $0x200;
	[sflag:s17] =	ssyncadd.s32 $0xFFFFD800  }
.LBB2_2:
0x29: {  	p1 =	sne.s32 s26, $0xFE00;
	[tilespmem:s25+$0x5070] =	vst v0  }
0x2a: {  	[tilespmem:s25+$0x5000] =	vst v0  }
0x2b: {  	[tilespmem:s25+$0x5010] =	vst v0  }
.Ltmp2:
0x2c: {  	[tilespmem:s25+$0x5020] =	vst v0;
	(pc) =	sbr.rel @p1 .LBB2_2-.Ltmp2, $4  }
0x2d: {  	[tilespmem:s25+$0x5030] =	vst v0  }
0x2e: {  	[tilespmem:s25+$0x5040] =	vst v0  }
0x2f: {  	[tilespmem:s25+$0x5050] =	vst v0  }
0x30: {  	[tilespmem:s25+$0x5060] =	vst v0;
	s25 =	sshra.s32 s26, $0x2;
	s26 =	sadd.s32 $0x200, s26  }
0x31: {  	[tilespmem:s25+$0x5070] =	vst v0  }
0x32: {  	[tilespmem:s25+$0x5000] =	vst v0  }
0x33: {  	[tilespmem:s25+$0x5010] =	vst v0  }
0x34: {  	[tilespmem:s25+$0x5020] =	vst v0  }
0x35: {  	[tilespmem:s25+$0x5030] =	vst v0  }
0x36: {  	[tilespmem:s25+$0x5040] =	vst v0  }
0x37: {  	[tilespmem:s25+$0x5050] =	vst v0  }
0x38: {  	[tilespmem:s25+$0x5060] =	vst v0  }
0x39: {  	[spmem:s10] =	stream.linear.scatter [tilespmem:s19], [sflag:$0x2], $0x4000, $0x38;
	[tilespmem:$0x1D000] =	vst v63  }
0x3a: {  	_ =	swait.ge [sflag:s17], $0x4000  }
0x3b: {  	[sflag:s17] =	ssyncset.done $0x0  }
0x3c: {  	[sflag:s17] =	ssyncadd.s32 $0xFFFFC000  }
0x3d: {  	[spmem:s13] =	stream.linear.scatter [tilespmem:s19], [sflag:$0x2], $0x4000, $0x38;
	[tilespmem:$0x1D000] =	vst v63  }
0x3e: {  	_ =	swait.ge [sflag:s17], $0x4000  }
0x3f: {  	[sflag:s17] =	ssyncset.done $0x0  }
0x40: {  	[sflag:s17] =	ssyncadd.s32 $0xFFFFC000  }
0x41: {  	[spmem:s14] =	stream.linear.scatter [tilespmem:s19], [sflag:$0x2], $0x4000, $0x38;
	[tilespmem:$0x1D000] =	vst v63  }
0x42: {  	_ =	swait.ge [sflag:s17], $0x4000  }
0x43: {  	[sflag:s17] =	ssyncset.done $0x0  }
0x44: {  	[sflag:s17] =	ssyncadd.s32 $0xFFFFC000  }
0x45: {  	[spmem:s15] =	stream.linear.scatter [tilespmem:s19], [sflag:$0x2], $0x4000, $0x38;
	[tilespmem:$0x1D000] =	vst v63  }
0x46: {  	_ =	swait.ge [sflag:s17], $0x4000  }
0x47: {  	[sflag:s17] =	ssyncset.done $0x0  }
0x48: {  	[sflag:s17] =	ssyncadd.s32 $0xFFFFC000  }
0x49: {  	[spmem:s16] =	stream.linear.scatter [tilespmem:s19], [sflag:$0x2], $0x4000, $0x38;
	[tilespmem:$0x1D000] =	vst v63  }
.Ltmp3:
0x4a: {  	_ =	swait.ge [sflag:s17], $0x4000;
	(pc) =	sbr.rel @p0 .LBB2_7-.Ltmp3, $4  }
0x4b: {  	[sflag:s17] =	ssyncset.done $0x0  }
0x4c: {  	[sflag:s17] =	ssyncadd.s32 $0xFFFFC000  }
0x4d: {  	[bflag:$0x0] =	sbarrier.arrive $0xFFFF  }
0x4e: {  	s25 =	simm.s32 $0x0  }
0x4f: {  	[tilespmem:s19], [sflag:$0x1] =	stream.indirect.gather [hbm4b:s4+s20], $0x80, s25, s20, $0xb8;
	[tilespmem:$0x1D000] =	vst v63  }
0x50: {  	_ =	swait.ge [sflag:s21], $0x4000  }
0x51: {  	[sflag:s21] =	ssyncset.done $0x0  }
0x52: {  	s31 =	simm.s32 $0x2800;
	[sflag:s21] =	ssyncadd.s32 $0xFFFFC000  }
0x53: {  	[spmem:s2] =	stream.indirect.scatter.add.f32 [tilespmem:s19], [sflag:$0x2], $0x80, s31, s20, $0xb8;
	[tilespmem:$0x1D000] =	vst v63  }
0x54: {  	_ =	swait.ge [sflag:s17], $0x4000  }
0x55: {  	s25 =	simm.s32 $0x200;
	s26 =	simm.s32 $0x400;
	[sflag:s17] =	ssyncset.done $0x0  }
.LBB2_5:
0x56: {  	s28 =	sshra.s32 s25, $0x2  }
0x57: {  	[sflag:s17] =	ssyncadd.s32 $0xFFFFC000;
	s25 =	smov.u32 s26;
	s29 =	sadd.s32 $0x200, s26  }
0x58: {  	[tilespmem:s19], [sflag:$0x1] =	stream.indirect.gather [hbm4b:s4+s20], $0x80, s28, s20, $0xb8;
	[tilespmem:$0x1D000] =	vst v63  }
0x59: {  	p1 =	seq.s32 s26, $0x9E00;
	_ =	swait.ge [sflag:s21], $0x4000  }
.Ltmp4:
0x5a: {  	[sflag:s21] =	ssyncset.done $0x0;
	(pc) =	sbr.rel @!p1 .LBB2_5-.Ltmp4, $4  }
0x5b: {  	s26 =	sadd.s32 $0x2800, s28;
	[sflag:s21] =	ssyncadd.s32 $0xFFFFC000  }
0x5c: {  	[spmem:s2] =	stream.indirect.scatter.add.f32 [tilespmem:s19], [sflag:$0x2], $0x80, s26, s20, $0xb8;
	[tilespmem:$0x1D000] =	vst v63  }
0x5d: {  	_ =	swait.ge [sflag:s17], $0x4000  }
0x5e: {  	s26 =	smov.u32 s29;
	[sflag:s17] =	ssyncset.done $0x0  }
0x5f: {  	s25 =	sshra.s32 s25, $0x2;
	[sflag:s17] =	ssyncadd.s32 $0xFFFFC000  }
0x60: {  	[tilespmem:s19], [sflag:$0x1] =	stream.indirect.gather [hbm4b:s4+s20], $0x80, s25, s20, $0xb8;
	[tilespmem:$0x1D000] =	vst v63  }
0x61: {  	_ =	swait.ge [sflag:s21], $0x4000  }
0x62: {  	[sflag:s21] =	ssyncset.done $0x0  }
.Ltmp5:
0x63: {  	s25 =	sadd.s32 $0x2800, s25;
	[sflag:s21] =	ssyncadd.s32 $0xFFFFC000;
	(pc) =	sbr.rel .LBB2_10-.Ltmp5, $4  }
0x64: {  	[spmem:s2] =	stream.indirect.scatter.add.f32 [tilespmem:s19], [sflag:$0x2], $0x80, s25, s20, $0xb8;
	[tilespmem:$0x1D000] =	vst v63  }
0x65: {  	_ =	swait.ge [sflag:s17], $0x4000  }
0x66: {  	[sflag:s17] =	ssyncset.done $0x0  }
0x67: {  	s25 =	smov.u32 s6;
	[sflag:s17] =	ssyncadd.s32 $0xFFFFC000  }
.LBB2_7:
0x68: {  	[tilespmem:s19], [sflag:$0x1] =	stream.indirect.gather [hbm4b:s5+s20], $0x80, s25, s20, $0xb8;
	[tilespmem:$0x1D000] =	vst v63  }
0x69: {  	_ =	swait.ge [sflag:s21], $0x4000  }
0x6a: {  	[sflag:s21] =	ssyncset.done $0x0  }
0x6b: {  	s31 =	simm.s32 $0x2800;
	[sflag:s21] =	ssyncadd.s32 $0xFFFFC000  }
0x6c: {  	[spmem:s2] =	stream.indirect.scatter.add.f32 [tilespmem:s19], [sflag:$0x2], $0x80, s31, s20, $0xb8;
	[tilespmem:$0x1D000] =	vst v63  }
0x6d: {  	_ =	swait.ge [sflag:s17], $0x4000  }
0x6e: {  	s25 =	simm.s32 $0x200;
	s26 =	simm.s32 $0x400;
	[sflag:s17] =	ssyncset.done $0x0  }
.LBB2_8:
0x6f: {  	s28 =	sshra.s32 s25, $0x2  }
0x70: {  	[sflag:s17] =	ssyncadd.s32 $0xFFFFC000;
	s25 =	smov.u32 s26;
	s29 =	sadd.s32 $0x200, s26  }
0x71: {  	[tilespmem:s19], [sflag:$0x1] =	stream.indirect.gather [hbm4b:s5+s20], $0x80, s28, s20, $0xb8;
	[tilespmem:$0x1D000] =	vst v63  }
0x72: {  	p1 =	sne.s32 s26, $0x9E00;
	_ =	swait.ge [sflag:s21], $0x4000  }
.Ltmp6:
0x73: {  	[sflag:s21] =	ssyncset.done $0x0;
	(pc) =	sbr.rel @p1 .LBB2_8-.Ltmp6, $4  }
0x74: {  	s26 =	sadd.s32 $0x2800, s28;
	[sflag:s21] =	ssyncadd.s32 $0xFFFFC000  }
0x75: {  	[spmem:s2] =	stream.indirect.scatter.add.f32 [tilespmem:s19], [sflag:$0x2], $0x80, s26, s20, $0xb8;
	[tilespmem:$0x1D000] =	vst v63  }
0x76: {  	_ =	swait.ge [sflag:s17], $0x4000  }
0x77: {  	s26 =	smov.u32 s29;
	[sflag:s17] =	ssyncset.done $0x0  }
.Ltmp7:
0x78: {  	_ = 	snop;
	(pc) =	sbr.rel .LBB2_9-.Ltmp7, $1  }
0x79: {  	_ =	sdelay $0x3  }
.LBB2_11:
0x7a: {  	_ =	sfence.sel $0x180000  }
0x7b: {  	[bflag:$0x0] =	sbarrier.arrive $0xFFFF  }
0x7c: {  	p0 =	sne.s32 s1, $0x0;
	_ =	strace $0x9000004A  }
0x7d: {  	s0 =	sadd.s32 @!p0 $0x100000, s0;
	[bflag:$0x2] =	sbarrier.arrive $0xFFFF  }
0x7e: {  	[sflag:s0] =	ssyncadd.tile.s32 @!p0 $0x1;
	_ =	shalt  }
.Lfunc_end2:
_tile_overlayer_lowered:
.L_overlay_start_2:
0x7f: {  	(tag) =	ssettag $0x2  }
0x80: {  	s0 =	rddreg [dreg:$0x0];
	s2 =	stileid.u32  }
0x81: {  	s1 =	rddreg [dreg:$0x1];
	p0 =	sne.s32 s2, $0x0  }
0x82: {  	s3 =	rddreg [dreg:$0x2];
	[bflag:$0x3] =	sbarrier.arrive $0xFFFF;
	s2 =	simm.s32 @!p0 $0x1C02  }
0x83: {  	[timem:s3], [sflag:s2] =	dma.local @!p0 [hbm:s0], s1  }
0x84: {  	s0 =	simm.s32 @!p0 $0x2  }
0x85: {  	_ =	swait.ge @!p0 [sflag:s0], s1  }
0x86: {  	s1 =	ssub.s32 @!p0 $0x0, s1;
	[sflag:s0] =	ssyncset.done @!p0 $0x0  }
0x87: {  	[sflag:s0] =	ssyncadd.s32 @!p0 s1  }
0x88: {  	[bflag:$0x3] =	sbarrier.arrive $0xFFFF  }
0x89: {  	_ =	shalt  }

// kernel: kernel.14.cloned.1.call-start
scs
__scs_entry_jumppad:
0x0: {  	(pc) =	sbr.rel $0x88, $3  }
0x1: {  	(tag) =	ssettag $0x0;
	lr =	simm.s32 $0x1  }
0x2: {  	[smem:$0x3F95] =	sst lr;
	_ =	strace $0xD0000000  }
0x3: {  	_ = 	snop  }
0x4: {  	_ = 	snop  }
0x5: {  	_ = 	snop  }
0x6: {  	_ = 	snop  }
0x7: {  	_ = 	snop  }
__scs_overlays_trampoline_lowered:
0x8: {  	[smem:$0x3FA4] =	sst s0  }
0x9: {  	[smem:$0x3FA5] =	sst s1  }
0xa: {  	[smem:$0x3FA6] =	sst s2  }
0xb: {  	[smem:$0x3FA7] =	sst s3  }
0xc: {  	[smem:$0x3FA8] =	sst s4  }
0xd: {  	[smem:$0x3FA9] =	sst s5  }
0xe: {  	[smem:$0x3FAA] =	sst s6  }
0xf: {  	[smem:$0x3FAB] =	sst s7  }
0x10: {  	[smem:$0x3FAC] =	sst s8  }
0x11: {  	[smem:$0x3FAD] =	sst s9;
	s0 =	simm.s32 @!p0 $0x0  }
0x12: {  	s1 =	sld [smem:$0x3F93];
	s0 =	simm.s32 @p0 $0x1  }
0x13: {  	[smem:$0x3FAE] =	sst s0;
	s0 =	simm.s32 @!p1 $0x0  }
0x14: {  	s2 =	sld [smem:$0x3F92];
	s0 =	simm.s32 @p1 $0x1  }
0x15: {  	[smem:$0x3FAF] =	sst s0;
	s0 =	simm.s32 @!p2 $0x0  }
0x16: {  	s3 =	sld [smem:$0x3FDB];
	s0 =	simm.s32 @p2 $0x1  }
0x17: {  	s4 =	simm.s32 $0x1BF5;
	[smem:$0x3FB1] =	sst s0  }
0x18: {  	s0 =	sld [smem:$0x3F94];
	_ =	swait.ge [sflag:s4], $0x0  }
0x19: {  	s7 =	sld [smem:$0x3F95]  }
0x1a: {  	s8 =	sadd.s32 $0xFFFFE003, lr  }
0x1b: {  	s9 =	sadd.s32 $0xFFFFFEF7, lr;
	s5 =	simm.s32 $0xFFFFFFFF;
	p2 =	slt.u32 s8, $0xFFFFF086  }
0x1c: {  	p1 =	slt.u32 s9, $0xF7A;
	s5 =	simm.s32 @!p2 $0x0  }
0x1d: {  	s5 =	simm.s32 @p1 $0x1;
	p0 =	seq.s32 s7, s2  }
0x1e: {  	s7 =	smul.u32 @!p0 $0xF7A, s2;
	p2 =	seq.s32 @!p0 s5, $0x0  }
0x1f: {  	s9 =	smul.u32 $0xF7A, s1;
	s8 =	simm.s32 @!p0 $0x1BF5;
	p2 =	por !p2, p0  }
0x20: {  	[sflag:s8] =	ssyncset.s32 @!p0 $0xFFFFF086;
	s6 =	sadd.s32 @!p0 s3, s7;
	s7 =	simm.s32 @!p0 $0x108  }
0x21: {  	s3 =	sadd.s32 s3, s9;
	s6 =	sadd.s32 @!p0 $0x88, s6;
	s7 =	simm.s32 @p2 $0x1082  }
0x22: {  	[simem:s7], [sflag:s8] =	dma.local @!p0 [hbm:s6], $0xF7A  }
0x23: {  	s9 =	sor.u32 $0xD0000000, s2;
	s6 =	simm.s32 $0x108;
	_ =	swait.ge @!p0 [sflag:s8], $0x0  }
0x24: {  	s3 =	sadd.s32 $0x88, s3;
	s6 =	simm.s32 @!p1 $0x1082;
	[sflag:s4] =	ssyncset.s32 $0xFFFFF086  }
0x25: {  	[simem:s6], [sflag:s4] =	dma.local [hbm:s3], $0xF7A  }
0x26: {  	[smem:$0x3F95] =	sst s1;
	(tag) =	ssettag s2;
	_ =	strace s9  }
0x27: {  	s1 =	sld [smem:$0x3FA5]  }
0x28: {  	s2 =	sld [smem:$0x3FA6]  }
0x29: {  	s4 =	sld [smem:$0x3FA8]  }
0x2a: {  	p0 =	seq.s32 s5, $0x0;
	s5 =	sld [smem:$0x3FA9]  }
0x2b: {  	s6 =	sld [smem:$0x3FAA]  }
0x2c: {  	s7 =	sld [smem:$0x3FAB]  }
0x2d: {  	s3 =	simm.s32 $0x108;
	s8 =	sld [smem:$0x3FAC]  }
0x2e: {  	s3 =	simm.s32 @!p0 $0x1082;
	s9 =	sld [smem:$0x3FAD]  }
0x2f: {  	lr =	sadd.s32 s0, s3;
	s0 =	sld [smem:$0x3FA4]  }
0x30: {  	s3 =	sld [smem:$0x3FA7]  }
0x31: {  	[smem:$0x3FB0] =	sst s10  }
0x32: {  	s10 =	sld [smem:$0x3FAE];
	_ =	sdelay $0x3  }
0x33: {  	p0 =	seq.s32 s10, $0x1;
	s10 =	sld [smem:$0x3FB0];
	_ =	sdelay $0x3  }
0x34: {  	[smem:$0x3FB0] =	sst s10  }
0x35: {  	s10 =	sld [smem:$0x3FAF];
	_ =	sdelay $0x3  }
0x36: {  	p1 =	seq.s32 s10, $0x1;
	s10 =	sld [smem:$0x3FB0];
	_ =	sdelay $0x3  }
0x37: {  	[smem:$0x3FB0] =	sst s10  }
0x38: {  	s10 =	sld [smem:$0x3FB1]  }
0x39: {  	_ = 	snop;
	(pc) =	sbr.ind lr, $3  }
0x3a: {  	_ = 	snop  }
0x3b: {  	_ = 	snop  }
0x3c: {  	p2 =	seq.s32 s10, $0x1;
	s10 =	sld [smem:$0x3FB0]  }
0x3d: {  	_ =	shalt  }
0x3e: {  	_ =	shalt  }
0x3f: {  	_ =	shalt  }
0x40: {  	_ =	shalt  }
0x41: {  	_ =	shalt  }
0x42: {  	_ =	shalt  }
0x43: {  	_ =	shalt  }
0x44: {  	_ =	shalt  }
0x45: {  	_ =	shalt  }
0x46: {  	_ =	shalt  }
0x47: {  	_ =	shalt  }
0x48: {  	_ =	shalt  }
0x49: {  	_ =	shalt  }
0x4a: {  	_ =	shalt  }
0x4b: {  	_ =	shalt  }
0x4c: {  	_ =	shalt  }
0x4d: {  	_ =	shalt  }
0x4e: {  	_ =	shalt  }
0x4f: {  	_ =	shalt  }
0x50: {  	_ =	shalt  }
0x51: {  	_ =	shalt  }
0x52: {  	_ =	shalt  }
0x53: {  	_ =	shalt  }
0x54: {  	_ =	shalt  }
0x55: {  	_ =	shalt  }
0x56: {  	_ =	shalt  }
0x57: {  	_ =	shalt  }
0x58: {  	_ =	shalt  }
0x59: {  	_ =	shalt  }
0x5a: {  	_ =	shalt  }
0x5b: {  	_ =	shalt  }
0x5c: {  	_ =	shalt  }
0x5d: {  	_ =	shalt  }
0x5e: {  	_ =	shalt  }
0x5f: {  	_ =	shalt  }
0x60: {  	_ =	shalt  }
0x61: {  	_ =	shalt  }
0x62: {  	_ =	shalt  }
0x63: {  	_ =	shalt  }
0x64: {  	_ =	shalt  }
0x65: {  	_ =	shalt  }
0x66: {  	_ =	shalt  }
0x67: {  	_ =	shalt  }
0x68: {  	_ =	shalt  }
0x69: {  	_ =	shalt  }
0x6a: {  	_ =	shalt  }
0x6b: {  	_ =	shalt  }
0x6c: {  	_ =	shalt  }
0x6d: {  	_ =	shalt  }
0x6e: {  	_ =	shalt  }
0x6f: {  	_ =	shalt  }
0x70: {  	_ =	shalt  }
0x71: {  	_ =	shalt  }
0x72: {  	_ =	shalt  }
0x73: {  	_ =	shalt  }
0x74: {  	_ =	shalt  }
0x75: {  	_ =	shalt  }
0x76: {  	_ =	shalt  }
0x77: {  	_ =	shalt  }
0x78: {  	_ =	shalt  }
0x79: {  	_ =	shalt  }
0x7a: {  	_ =	shalt  }
0x7b: {  	_ =	shalt  }
0x7c: {  	_ =	shalt  }
0x7d: {  	_ =	shalt  }
0x7e: {  	_ =	shalt  }
0x7f: {  	_ =	shalt  }
0x80: {  	_ =	shalt  }
0x81: {  	_ =	shalt  }
0x82: {  	_ =	shalt  }
0x83: {  	_ =	shalt  }
0x84: {  	_ =	shalt  }
0x85: {  	_ =	shalt  }
0x86: {  	_ =	shalt  }
0x87: {  	_ =	shalt  }
.Lfunc_end0:
.L_simem_size_0:
called_computation.2_lowered:
.L_overlay_start_0:
0x88: {  	s2 =	sld [smem:$0x3FD9]  }
0x89: {  	s3 =	sld [smem:$0x3FFE];
	_ =	sdelay $0x1  }
0x8a: {  	s1 =	srdreg.scid  }
0x8b: {  	s0 =	sand.u32 $0x1, s1  }
0x8c: {  	s17 =	sshll.u32 s0, $0xA;
	s2 =	sadd.s32 s3, s2  }
0x8d: {  	s2 =	sadd.s32 s2, s17  }
0x8e: {  	[smem:$0x3FBC] =	sst s2  }
0x8f: {  	_ = 	snop  }
0x90: {  	s2 =	sld [smem:$0x3FD0];
	(tm) =	ssettm $0x1  }
0x91: {  	s18 =	sld [smem:$0x3FFB];
	_ =	sdelay $0x3  }
0x92: {  	_ =	strace s18  }
0x93: {  	s3 =	sld [smem:$0x3FFC];
	_ =	sdelay $0x3  }
0x94: {  	_ =	strace s3  }
0x95: {  	s3 =	sld [smem:$0x3FFD];
	_ =	sdelay $0x3  }
0x96: {  	_ =	strace s3  }
0x97: {  	_ =	strace $0x8FFFFFFF  }
0x98: {  	s19 =	sld [smem:$0x3FDB];
	_ =	sdelay $0x1  }
0x99: {  	s4 =	simm.s32 $_scs_section_size  }
0x9a: {  	s5 =	simm.s32 $_size__tile_overlayer_lowered;
	s6 =	simm.s32 $_tile_overlayer_lowered  }
0x9b: {  	s22 =	simm.s32 $0x1BFF;
	s21 =	sshll.u32 s6, $0x1;
	s3 =	sadd.s32 s4, s19  }
0x9c: {  	s7 =	simm.s32 $0x0;
	s20 =	sshll.u32 s5, $0x1;
	s5 =	sadd.s32 s21, s3  }
0x9d: {  	[timem:s7], [sflag:s22] =	dma.local [hbm:s5], s20  }
0x9e: {  	_ =	swait.ge [sflag:s22], s20  }
0x9f: {  	s4 =	ssub.s32 $0x0, s20;
	[sflag:s22] =	ssyncset.done $0x0  }
0xa0: {  	[sflag:s22] =	ssyncadd.s32 s4;
	_ =	sdelay $0x1  }
0xa1: {  	s23 =	simm.s32 $0x1B8B  }
0xa2: {  	_ =	swait.ge [sflag:s23], $0x1  }
0xa3: {  	[sflag:s23] =	ssyncset.done $0x0  }
0xa4: {  	s25 =	simm.s32 $0x1B8E;
	s24 =	sld [smem:$0x3FFE];
	[sflag:s23] =	ssyncadd.s32 $0xFFFFFFFF  }
0xa5: {  	s26 =	simm.s32 $execute0_lowered;
	[smem:$0x3FD2] =	sst s25  }
0xa6: {  	s5 =	sshll.u32 s26, $0x1;
	_ =	strace $0x8000004C;
	[dreg:$0x1] =	wrdreg $0xFFFFFFFF  }
0xa7: {  	s28 =	simm.s32 $_size_execute0_lowered;
	s3 =	sadd.s32 s3, s5;
	[dreg:$0x0] =	wrdreg $0x0  }
0xa8: {  	s5 =	sshll.u32 s28, $0x1;
	[dreg:$0x2] =	wrdreg s3  }
0xa9: {  	[dreg:$0x3] =	wrdreg s5  }
0xaa: {  	[dreg:$0x4] =	wrdreg $0xC0  }
0xab: {  	_ =	task [dreg:s7], $0x5FFFF  }
0xac: {  	[dreg:$0x1] =	wrdreg $0xFFFFFFFF  }
0xad: {  	[dreg:$0x0] =	wrdreg $0x60  }
0xae: {  	[dreg:$0x2] =	wrdreg s24  }
0xaf: {  	[dreg:$0x3] =	wrdreg s2  }
0xb0: {  	[dreg:$0x4] =	wrdreg $0x90000  }
0xb1: {  	[dreg:$0x5] =	wrdreg $0x9  }
0xb2: {  	_ =	task.clear_ibuf [dreg:s7], $0x6FFFF;
	_ =	strace $0x9000004C  }
0xb3: {  	s29 =	simm.s32 $0x9;
	_ =	strace $0x8000004E  }
0xb4: {  	_ =	swait.ge [sflag:s29], $0x1  }
0xb5: {  	[sflag:s29] =	ssyncadd.s32 $0xFFFFFFFF  }
0xb6: {  	_ =	strace $0x9000004E  }
0xb7: {  	_ =	sfence  }
0xb8: {  	s30 =	sld [smem:$0x0];
	_ =	sdelay $0x2  }
0xb9: {  	s31 =	sshll.u32 s1, $0xD;
	s1 =	sshrl.u32 s1, $0x2  }
0xba: {  	s3 =	sand.u32 $0x4000, s31;
	s1 =	sadd.s32 s1, s30  }
0xbb: {  	s0 =	sor.u32 s3, s0;
	s1 =	sshll.u32 s1, $0x11  }
0xbc: {  	s0 =	sor.u32 s1, s0  }
0xbd: {  	s0 =	sadd.s32 $0x8F2B, s0  }
0xbe: {  	[sflag:s0] =	ssyncadd.remote.s32 $0x1  }
0xbf: {  	_ =	sfence.sel $0xFFFF  }
0xc0: {  	[dreg:$0x0] =	wrdreg $0xFFFFFFFF;
	(pc) =	sbr.abs _section_cstart, $3  }
0xc1: {  	[dreg:$0x1] =	wrdreg $0xFFFFFFFF  }
0xc2: {  	_ =	task.clear_ibuf [dreg:s7], $0x2FFFF;
	_ =	strace $0x9FFFFFFF  }
0xc3: {  	(tm) =	ssettm $0x7FFFFFFF  }
tec
execute0_lowered:
.L_overlay_start_1:
0x0: {  	(tag) =	ssettag $0x1  }
0x1: {  	s7 =	rddreg [dreg:$0x0]  }
0x2: {  	s9 =	rddreg [dreg:$0x1]  }
0x3: {  	s2 =	rddreg [dreg:$0x2]  }
0x4: {  	s0 =	rddreg [dreg:$0x3];
	s3 =	simm.s32 $0x0  }
0x5: {  	s1 =	stileid.u32;
	s5 =	srdreg.scid;
	s17 =	simm.s32 $0x2  }
0x6: {  	s18 =	simm.s32 $0x2800;
	s20 =	simm.s32 $0x80;
	s21 =	simm.s32 $0x1  }
0x7: {  	s24 =	simm.s32 $0x0;
	[smem:$0x7FF] =	sst s3;
	s10 =	smul.u32 $0x500, s1  }
0x8: {  	s4 =	sadd.s32 $0x7FA00, s7;
	s19 =	sand.u32 $0x1, s5;
	s5 =	sadd.s32 $0x58800, s7  }
0x9: {  	s12 =	smul.u32 $0x50000, s1;
	s6 =	sadd.s32 $0xA6C00, s7;
	s22 =	sshll.u32 s1, $0x6  }
0xa: {  	_ =	strace $0x8000004D;
	s11 =	ssub.s32 $0x2, s19;
	p0 =	sne.s32 s19, $0x0  }
0xb: {  	s19 =	simm.s32 $0x5000;
	s22 =	sor.u32 $0x1C02, s22;
	s8 =	sadd.s32 s10, s7  }
.Ltmp0:
0xc: {  	s7 =	sadd.s32 $0xCEC00, s7;
	s13 =	sshrl.u32 s11, $0x1;
	(pc) =	sbr.rel .LBB2_1-.Ltmp0, $4  }
0xd: {  	s31 =	sshrl.u32 s12, $0x2;
	s9 =	sadd.s32 s9, s10;
	s13 =	ssub.s32 s11, s13  }
0xe: {  	s8 =	sadd.s32 $0x53800, s8;
	s10 =	sadd.s32 s31, s2;
	s11 =	smul.u32 $0x2800, s1  }
0xf: {  	s12 =	smax.u32 s13, $0x1;
	s13 =	sadd.s32 $0x4000, s10;
	s14 =	sadd.s32 $0x8000, s10  }
0x10: {  	v0 =	vimm.f32 $0.0e+00;
	s15 =	sadd.s32 $0xC000, s10;
	s16 =	sadd.s32 $0x10000, s10;
	s23 =	sshrl.u32 s10, $0x3  }
.LBB2_9:
0x11: {  	s25 =	sshra.s32 s25, $0x2;
	[sflag:s17] =	ssyncadd.s32 $0xFFFFC000  }
0x12: {  	[tilespmem:s19], [sflag:$0x1] =	stream.indirect.gather [hbm4b:s5+s20], $0x80, s25, s20, $0xb8;
	[tilespmem:$0x1D000] =	vst v63  }
0x13: {  	_ =	swait.ge [sflag:s21], $0x4000  }
0x14: {  	[sflag:s21] =	ssyncset.done $0x0  }
0x15: {  	s25 =	sadd.s32 $0x2800, s25;
	[sflag:s21] =	ssyncadd.s32 $0xFFFFC000  }
0x16: {  	[spmem:s2] =	stream.indirect.scatter.add.f32 [tilespmem:s19], [sflag:$0x2], $0x80, s25, s20, $0xb8;
	[tilespmem:$0x1D000] =	vst v63  }
0x17: {  	_ =	swait.ge [sflag:s17], $0x4000  }
0x18: {  	[sflag:s17] =	ssyncset.done $0x0  }
0x19: {  	s25 =	smov.u32 s7;
	[sflag:s17] =	ssyncadd.s32 $0xFFFFC000  }
.LBB2_10:
0x1a: {  	s24 =	sadd.s32 $0x1, s24  }
0x1b: {  	p1 =	sne.s32 s24, s12  }
.Ltmp1:
0x1c: {  	s25 =	sadd.s32 s25, s11;
	[bflag:$0x0] =	sbarrier.arrive $0xFFFF;
	(pc) =	sbr.rel @!p1 .LBB2_11-.Ltmp1, $4  }
0x1d: {  	[hbm:s25], [sflag:s22] =	dma.local [spmem:s23], $0x2800  }
0x1e: {  	_ =	swait.ge [sflag:s17], $0x2800  }
0x1f: {  	[sflag:s17] =	ssyncset.done $0x0  }
0x20: {  	[sflag:s17] =	ssyncadd.s32 $0xFFFFD800  }
.LBB2_1:
0x21: {  	[tilespmem:s3], [sflag:$0x2] =	stream.linear.gather [hbm4b:s8+s3], $0x2800, $0x38;
	[tilespmem:$0x1D000] =	vst v63  }
0x22: {  	_ =	swait.ge [sflag:s17], $0x2800  }
0x23: {  	[sflag:s17] =	ssyncset.done $0x0  }
0x24: {  	[sflag:s17] =	ssyncadd.s32 $0xFFFFD800  }
0x25: {  	[tilespmem:s18], [sflag:$0x2] =	stream.linear.gather [hbm4b:s9+s3], $0x2800, $0x38;
	[tilespmem:$0x1D000] =	vst v63  }
0x26: {  	_ =	swait.ge [sflag:s17], $0x2800  }
0x27: {  	[sflag:s17] =	ssyncset.done $0x0  }
0x28: {  	s25 =	simm.s32 $0x0;
	s26 =	simm.s32 $0x200;
	[sflag:s17] =	ssyncadd.s32 $0xFFFFD800  }
.LBB2_2:
0x29: {  	p1 =	sne.s32 s26, $0xFE00;
	[tilespmem:s25+$0x5070] =	vst v0  }
0x2a: {  	[tilespmem:s25+$0x5000] =	vst v0  }
0x2b: {  	[tilespmem:s25+$0x5010] =	vst v0  }
.Ltmp2:
0x2c: {  	[tilespmem:s25+$0x5020] =	vst v0;
	(pc) =	sbr.rel @p1 .LBB2_2-.Ltmp2, $4  }
0x2d: {  	[tilespmem:s25+$0x5030] =	vst v0  }
0x2e: {  	[tilespmem:s25+$0x5040] =	vst v0  }
0x2f: {  	[tilespmem:s25+$0x5050] =	vst v0  }
0x30: {  	[tilespmem:s25+$0x5060] =	vst v0;
	s25 =	sshra.s32 s26, $0x2;
	s26 =	sadd.s32 $0x200, s26  }
0x31: {  	[tilespmem:s25+$0x5070] =	vst v0  }
0x32: {  	[tilespmem:s25+$0x5000] =	vst v0  }
0x33: {  	[tilespmem:s25+$0x5010] =	vst v0  }
0x34: {  	[tilespmem:s25+$0x5020] =	vst v0  }
0x35: {  	[tilespmem:s25+$0x5030] =	vst v0  }
0x36: {  	[tilespmem:s25+$0x5040] =	vst v0  }
0x37: {  	[tilespmem:s25+$0x5050] =	vst v0  }
0x38: {  	[tilespmem:s25+$0x5060] =	vst v0  }
0x39: {  	[spmem:s10] =	stream.linear.scatter [tilespmem:s19], [sflag:$0x2], $0x4000, $0x38;
	[tilespmem:$0x1D000] =	vst v63  }
0x3a: {  	_ =	swait.ge [sflag:s17], $0x4000  }
0x3b: {  	[sflag:s17] =	ssyncset.done $0x0  }
0x3c: {  	[sflag:s17] =	ssyncadd.s32 $0xFFFFC000  }
0x3d: {  	[spmem:s13] =	stream.linear.scatter [tilespmem:s19], [sflag:$0x2], $0x4000, $0x38;
	[tilespmem:$0x1D000] =	vst v63  }
0x3e: {  	_ =	swait.ge [sflag:s17], $0x4000  }
0x3f: {  	[sflag:s17] =	ssyncset.done $0x0  }
0x40: {  	[sflag:s17] =	ssyncadd.s32 $0xFFFFC000  }
0x41: {  	[spmem:s14] =	stream.linear.scatter [tilespmem:s19], [sflag:$0x2], $0x4000, $0x38;
	[tilespmem:$0x1D000] =	vst v63  }
0x42: {  	_ =	swait.ge [sflag:s17], $0x4000  }
0x43: {  	[sflag:s17] =	ssyncset.done $0x0  }
0x44: {  	[sflag:s17] =	ssyncadd.s32 $0xFFFFC000  }
0x45: {  	[spmem:s15] =	stream.linear.scatter [tilespmem:s19], [sflag:$0x2], $0x4000, $0x38;
	[tilespmem:$0x1D000] =	vst v63  }
0x46: {  	_ =	swait.ge [sflag:s17], $0x4000  }
0x47: {  	[sflag:s17] =	ssyncset.done $0x0  }
0x48: {  	[sflag:s17] =	ssyncadd.s32 $0xFFFFC000  }
0x49: {  	[spmem:s16] =	stream.linear.scatter [tilespmem:s19], [sflag:$0x2], $0x4000, $0x38;
	[tilespmem:$0x1D000] =	vst v63  }
.Ltmp3:
0x4a: {  	_ =	swait.ge [sflag:s17], $0x4000;
	(pc) =	sbr.rel @p0 .LBB2_7-.Ltmp3, $4  }
0x4b: {  	[sflag:s17] =	ssyncset.done $0x0  }
0x4c: {  	[sflag:s17] =	ssyncadd.s32 $0xFFFFC000  }
0x4d: {  	[bflag:$0x0] =	sbarrier.arrive $0xFFFF  }
0x4e: {  	s25 =	simm.s32 $0x0  }
0x4f: {  	[tilespmem:s19], [sflag:$0x1] =	stream.indirect.gather [hbm4b:s4+s20], $0x80, s25, s20, $0xb8;
	[tilespmem:$0x1D000] =	vst v63  }
0x50: {  	_ =	swait.ge [sflag:s21], $0x4000  }
0x51: {  	[sflag:s21] =	ssyncset.done $0x0  }
0x52: {  	s31 =	simm.s32 $0x2800;
	[sflag:s21] =	ssyncadd.s32 $0xFFFFC000  }
0x53: {  	[spmem:s2] =	stream.indirect.scatter.add.f32 [tilespmem:s19], [sflag:$0x2], $0x80, s31, s20, $0xb8;
	[tilespmem:$0x1D000] =	vst v63  }
0x54: {  	_ =	swait.ge [sflag:s17], $0x4000  }
0x55: {  	s25 =	simm.s32 $0x200;
	s26 =	simm.s32 $0x400;
	[sflag:s17] =	ssyncset.done $0x0  }
.LBB2_5:
0x56: {  	s28 =	sshra.s32 s25, $0x2  }
0x57: {  	[sflag:s17] =	ssyncadd.s32 $0xFFFFC000;
	s25 =	smov.u32 s26;
	s29 =	sadd.s32 $0x200, s26  }
0x58: {  	[tilespmem:s19], [sflag:$0x1] =	stream.indirect.gather [hbm4b:s4+s20], $0x80, s28, s20, $0xb8;
	[tilespmem:$0x1D000] =	vst v63  }
0x59: {  	p1 =	seq.s32 s26, $0x9E00;
	_ =	swait.ge [sflag:s21], $0x4000  }
.Ltmp4:
0x5a: {  	[sflag:s21] =	ssyncset.done $0x0;
	(pc) =	sbr.rel @!p1 .LBB2_5-.Ltmp4, $4  }
0x5b: {  	s26 =	sadd.s32 $0x2800, s28;
	[sflag:s21] =	ssyncadd.s32 $0xFFFFC000  }
0x5c: {  	[spmem:s2] =	stream.indirect.scatter.add.f32 [tilespmem:s19], [sflag:$0x2], $0x80, s26, s20, $0xb8;
	[tilespmem:$0x1D000] =	vst v63  }
0x5d: {  	_ =	swait.ge [sflag:s17], $0x4000  }
0x5e: {  	s26 =	smov.u32 s29;
	[sflag:s17] =	ssyncset.done $0x0  }
0x5f: {  	s25 =	sshra.s32 s25, $0x2;
	[sflag:s17] =	ssyncadd.s32 $0xFFFFC000  }
0x60: {  	[tilespmem:s19], [sflag:$0x1] =	stream.indirect.gather [hbm4b:s4+s20], $0x80, s25, s20, $0xb8;
	[tilespmem:$0x1D000] =	vst v63  }
0x61: {  	_ =	swait.ge [sflag:s21], $0x4000  }
0x62: {  	[sflag:s21] =	ssyncset.done $0x0  }
.Ltmp5:
0x63: {  	s25 =	sadd.s32 $0x2800, s25;
	[sflag:s21] =	ssyncadd.s32 $0xFFFFC000;
	(pc) =	sbr.rel .LBB2_10-.Ltmp5, $4  }
0x64: {  	[spmem:s2] =	stream.indirect.scatter.add.f32 [tilespmem:s19], [sflag:$0x2], $0x80, s25, s20, $0xb8;
	[tilespmem:$0x1D000] =	vst v63  }
0x65: {  	_ =	swait.ge [sflag:s17], $0x4000  }
0x66: {  	[sflag:s17] =	ssyncset.done $0x0  }
0x67: {  	s25 =	smov.u32 s6;
	[sflag:s17] =	ssyncadd.s32 $0xFFFFC000  }
.LBB2_7:
0x68: {  	[tilespmem:s19], [sflag:$0x1] =	stream.indirect.gather [hbm4b:s5+s20], $0x80, s25, s20, $0xb8;
	[tilespmem:$0x1D000] =	vst v63  }
0x69: {  	_ =	swait.ge [sflag:s21], $0x4000  }
0x6a: {  	[sflag:s21] =	ssyncset.done $0x0  }
0x6b: {  	s31 =	simm.s32 $0x2800;
	[sflag:s21] =	ssyncadd.s32 $0xFFFFC000  }
0x6c: {  	[spmem:s2] =	stream.indirect.scatter.add.f32 [tilespmem:s19], [sflag:$0x2], $0x80, s31, s20, $0xb8;
	[tilespmem:$0x1D000] =	vst v63  }
0x6d: {  	_ =	swait.ge [sflag:s17], $0x4000  }
0x6e: {  	s25 =	simm.s32 $0x200;
	s26 =	simm.s32 $0x400;
	[sflag:s17] =	ssyncset.done $0x0  }
.LBB2_8:
0x6f: {  	s28 =	sshra.s32 s25, $0x2  }
0x70: {  	[sflag:s17] =	ssyncadd.s32 $0xFFFFC000;
	s25 =	smov.u32 s26;
	s29 =	sadd.s32 $0x200, s26  }
0x71: {  	[tilespmem:s19], [sflag:$0x1] =	stream.indirect.gather [hbm4b:s5+s20], $0x80, s28, s20, $0xb8;
	[tilespmem:$0x1D000] =	vst v63  }
0x72: {  	p1 =	sne.s32 s26, $0x9E00;
	_ =	swait.ge [sflag:s21], $0x4000  }
.Ltmp6:
0x73: {  	[sflag:s21] =	ssyncset.done $0x0;
	(pc) =	sbr.rel @p1 .LBB2_8-.Ltmp6, $4  }
0x74: {  	s26 =	sadd.s32 $0x2800, s28;
	[sflag:s21] =	ssyncadd.s32 $0xFFFFC000  }
0x75: {  	[spmem:s2] =	stream.indirect.scatter.add.f32 [tilespmem:s19], [sflag:$0x2], $0x80, s26, s20, $0xb8;
	[tilespmem:$0x1D000] =	vst v63  }
0x76: {  	_ =	swait.ge [sflag:s17], $0x4000  }
0x77: {  	s26 =	smov.u32 s29;
	[sflag:s17] =	ssyncset.done $0x0  }
.Ltmp7:
0x78: {  	_ = 	snop;
	(pc) =	sbr.rel .LBB2_9-.Ltmp7, $1  }
0x79: {  	_ =	sdelay $0x3  }
.LBB2_11:
0x7a: {  	_ =	sfence.sel $0x180000  }
0x7b: {  	[bflag:$0x0] =	sbarrier.arrive $0xFFFF  }
0x7c: {  	p0 =	sne.s32 s1, $0x0;
	_ =	strace $0x9000004D  }
0x7d: {  	s0 =	sadd.s32 @!p0 $0x100000, s0;
	[bflag:$0x2] =	sbarrier.arrive $0xFFFF  }
0x7e: {  	[sflag:s0] =	ssyncadd.tile.s32 @!p0 $0x1;
	_ =	shalt  }
.Lfunc_end2:
_tile_overlayer_lowered:
.L_overlay_start_2:
0x7f: {  	(tag) =	ssettag $0x2  }
0x80: {  	s0 =	rddreg [dreg:$0x0];
	s2 =	stileid.u32  }
0x81: {  	s1 =	rddreg [dreg:$0x1];
	p0 =	sne.s32 s2, $0x0  }
0x82: {  	s3 =	rddreg [dreg:$0x2];
	[bflag:$0x3] =	sbarrier.arrive $0xFFFF;
	s2 =	simm.s32 @!p0 $0x1C02  }
0x83: {  	[timem:s3], [sflag:s2] =	dma.local @!p0 [hbm:s0], s1  }
0x84: {  	s0 =	simm.s32 @!p0 $0x2  }
0x85: {  	_ =	swait.ge @!p0 [sflag:s0], s1  }
0x86: {  	s1 =	ssub.s32 @!p0 $0x0, s1;
	[sflag:s0] =	ssyncset.done @!p0 $0x0  }
0x87: {  	[sflag:s0] =	ssyncadd.s32 @!p0 s1  }
0x88: {  	[bflag:$0x3] =	sbarrier.arrive $0xFFFF  }
0x89: {  	_ =	shalt  }

// kernel: kernel.8.cloned.1.call-start
scs
__scs_entry_jumppad:
0x0: {  	(pc) =	sbr.rel $0x88, $3  }
0x1: {  	(tag) =	ssettag $0x0;
	lr =	simm.s32 $0x1  }
0x2: {  	[smem:$0x3F95] =	sst lr;
	_ =	strace $0xD0000000  }
0x3: {  	_ = 	snop  }
0x4: {  	_ = 	snop  }
0x5: {  	_ = 	snop  }
0x6: {  	_ = 	snop  }
0x7: {  	_ = 	snop  }
__scs_overlays_trampoline_lowered:
0x8: {  	[smem:$0x3FA4] =	sst s0  }
0x9: {  	[smem:$0x3FA5] =	sst s1  }
0xa: {  	[smem:$0x3FA6] =	sst s2  }
0xb: {  	[smem:$0x3FA7] =	sst s3  }
0xc: {  	[smem:$0x3FA8] =	sst s4  }
0xd: {  	[smem:$0x3FA9] =	sst s5  }
0xe: {  	[smem:$0x3FAA] =	sst s6  }
0xf: {  	[smem:$0x3FAB] =	sst s7  }
0x10: {  	[smem:$0x3FAC] =	sst s8  }
0x11: {  	[smem:$0x3FAD] =	sst s9;
	s0 =	simm.s32 @!p0 $0x0  }
0x12: {  	s1 =	sld [smem:$0x3F93];
	s0 =	simm.s32 @p0 $0x1  }
0x13: {  	[smem:$0x3FAE] =	sst s0;
	s0 =	simm.s32 @!p1 $0x0  }
0x14: {  	s2 =	sld [smem:$0x3F92];
	s0 =	simm.s32 @p1 $0x1  }
0x15: {  	[smem:$0x3FAF] =	sst s0;
	s0 =	simm.s32 @!p2 $0x0  }
0x16: {  	s3 =	sld [smem:$0x3FDB];
	s0 =	simm.s32 @p2 $0x1  }
0x17: {  	s4 =	simm.s32 $0x1BF5;
	[smem:$0x3FB1] =	sst s0  }
0x18: {  	s0 =	sld [smem:$0x3F94];
	_ =	swait.ge [sflag:s4], $0x0  }
0x19: {  	s7 =	sld [smem:$0x3F95]  }
0x1a: {  	s8 =	sadd.s32 $0xFFFFE003, lr  }
0x1b: {  	s9 =	sadd.s32 $0xFFFFFEF7, lr;
	s5 =	simm.s32 $0xFFFFFFFF;
	p2 =	slt.u32 s8, $0xFFFFF086  }
0x1c: {  	p1 =	slt.u32 s9, $0xF7A;
	s5 =	simm.s32 @!p2 $0x0  }
0x1d: {  	s5 =	simm.s32 @p1 $0x1;
	p0 =	seq.s32 s7, s2  }
0x1e: {  	s7 =	smul.u32 @!p0 $0xF7A, s2;
	p2 =	seq.s32 @!p0 s5, $0x0  }
0x1f: {  	s9 =	smul.u32 $0xF7A, s1;
	s8 =	simm.s32 @!p0 $0x1BF5;
	p2 =	por !p2, p0  }
0x20: {  	[sflag:s8] =	ssyncset.s32 @!p0 $0xFFFFF086;
	s6 =	sadd.s32 @!p0 s3, s7;
	s7 =	simm.s32 @!p0 $0x108  }
0x21: {  	s3 =	sadd.s32 s3, s9;
	s6 =	sadd.s32 @!p0 $0x88, s6;
	s7 =	simm.s32 @p2 $0x1082  }
0x22: {  	[simem:s7], [sflag:s8] =	dma.local @!p0 [hbm:s6], $0xF7A  }
0x23: {  	s9 =	sor.u32 $0xD0000000, s2;
	s6 =	simm.s32 $0x108;
	_ =	swait.ge @!p0 [sflag:s8], $0x0  }
0x24: {  	s3 =	sadd.s32 $0x88, s3;
	s6 =	simm.s32 @!p1 $0x1082;
	[sflag:s4] =	ssyncset.s32 $0xFFFFF086  }
0x25: {  	[simem:s6], [sflag:s4] =	dma.local [hbm:s3], $0xF7A  }
0x26: {  	[smem:$0x3F95] =	sst s1;
	(tag) =	ssettag s2;
	_ =	strace s9  }
0x27: {  	s1 =	sld [smem:$0x3FA5]  }
0x28: {  	s2 =	sld [smem:$0x3FA6]  }
0x29: {  	s4 =	sld [smem:$0x3FA8]  }
0x2a: {  	p0 =	seq.s32 s5, $0x0;
	s5 =	sld [smem:$0x3FA9]  }
0x2b: {  	s6 =	sld [smem:$0x3FAA]  }
0x2c: {  	s7 =	sld [smem:$0x3FAB]  }
0x2d: {  	s3 =	simm.s32 $0x108;
	s8 =	sld [smem:$0x3FAC]  }
0x2e: {  	s3 =	simm.s32 @!p0 $0x1082;
	s9 =	sld [smem:$0x3FAD]  }
0x2f: {  	lr =	sadd.s32 s0, s3;
	s0 =	sld [smem:$0x3FA4]  }
0x30: {  	s3 =	sld [smem:$0x3FA7]  }
0x31: {  	[smem:$0x3FB0] =	sst s10  }
0x32: {  	s10 =	sld [smem:$0x3FAE];
	_ =	sdelay $0x3  }
0x33: {  	p0 =	seq.s32 s10, $0x1;
	s10 =	sld [smem:$0x3FB0];
	_ =	sdelay $0x3  }
0x34: {  	[smem:$0x3FB0] =	sst s10  }
0x35: {  	s10 =	sld [smem:$0x3FAF];
	_ =	sdelay $0x3  }
0x36: {  	p1 =	seq.s32 s10, $0x1;
	s10 =	sld [smem:$0x3FB0];
	_ =	sdelay $0x3  }
0x37: {  	[smem:$0x3FB0] =	sst s10  }
0x38: {  	s10 =	sld [smem:$0x3FB1]  }
0x39: {  	_ = 	snop;
	(pc) =	sbr.ind lr, $3  }
0x3a: {  	_ = 	snop  }
0x3b: {  	_ = 	snop  }
0x3c: {  	p2 =	seq.s32 s10, $0x1;
	s10 =	sld [smem:$0x3FB0]  }
0x3d: {  	_ =	shalt  }
0x3e: {  	_ =	shalt  }
0x3f: {  	_ =	shalt  }
0x40: {  	_ =	shalt  }
0x41: {  	_ =	shalt  }
0x42: {  	_ =	shalt  }
0x43: {  	_ =	shalt  }
0x44: {  	_ =	shalt  }
0x45: {  	_ =	shalt  }
0x46: {  	_ =	shalt  }
0x47: {  	_ =	shalt  }
0x48: {  	_ =	shalt  }
0x49: {  	_ =	shalt  }
0x4a: {  	_ =	shalt  }
0x4b: {  	_ =	shalt  }
0x4c: {  	_ =	shalt  }
0x4d: {  	_ =	shalt  }
0x4e: {  	_ =	shalt  }
0x4f: {  	_ =	shalt  }
0x50: {  	_ =	shalt  }
0x51: {  	_ =	shalt  }
0x52: {  	_ =	shalt  }
0x53: {  	_ =	shalt  }
0x54: {  	_ =	shalt  }
0x55: {  	_ =	shalt  }
0x56: {  	_ =	shalt  }
0x57: {  	_ =	shalt  }
0x58: {  	_ =	shalt  }
0x59: {  	_ =	shalt  }
0x5a: {  	_ =	shalt  }
0x5b: {  	_ =	shalt  }
0x5c: {  	_ =	shalt  }
0x5d: {  	_ =	shalt  }
0x5e: {  	_ =	shalt  }
0x5f: {  	_ =	shalt  }
0x60: {  	_ =	shalt  }
0x61: {  	_ =	shalt  }
0x62: {  	_ =	shalt  }
0x63: {  	_ =	shalt  }
0x64: {  	_ =	shalt  }
0x65: {  	_ =	shalt  }
0x66: {  	_ =	shalt  }
0x67: {  	_ =	shalt  }
0x68: {  	_ =	shalt  }
0x69: {  	_ =	shalt  }
0x6a: {  	_ =	shalt  }
0x6b: {  	_ =	shalt  }
0x6c: {  	_ =	shalt  }
0x6d: {  	_ =	shalt  }
0x6e: {  	_ =	shalt  }
0x6f: {  	_ =	shalt  }
0x70: {  	_ =	shalt  }
0x71: {  	_ =	shalt  }
0x72: {  	_ =	shalt  }
0x73: {  	_ =	shalt  }
0x74: {  	_ =	shalt  }
0x75: {  	_ =	shalt  }
0x76: {  	_ =	shalt  }
0x77: {  	_ =	shalt  }
0x78: {  	_ =	shalt  }
0x79: {  	_ =	shalt  }
0x7a: {  	_ =	shalt  }
0x7b: {  	_ =	shalt  }
0x7c: {  	_ =	shalt  }
0x7d: {  	_ =	shalt  }
0x7e: {  	_ =	shalt  }
0x7f: {  	_ =	shalt  }
0x80: {  	_ =	shalt  }
0x81: {  	_ =	shalt  }
0x82: {  	_ =	shalt  }
0x83: {  	_ =	shalt  }
0x84: {  	_ =	shalt  }
0x85: {  	_ =	shalt  }
0x86: {  	_ =	shalt  }
0x87: {  	_ =	shalt  }
.Lfunc_end0:
.L_simem_size_0:
called_computation_lowered:
.L_overlay_start_0:
0x88: {  	s2 =	sld [smem:$0x3FD9]  }
0x89: {  	s3 =	sld [smem:$0x3FFE];
	_ =	sdelay $0x1  }
0x8a: {  	s1 =	srdreg.scid  }
0x8b: {  	s0 =	sand.u32 $0x1, s1  }
0x8c: {  	s17 =	sshll.u32 s0, $0xA;
	s2 =	sadd.s32 s3, s2  }
0x8d: {  	s2 =	sadd.s32 s2, s17  }
0x8e: {  	[smem:$0x3FBC] =	sst s2  }
0x8f: {  	_ = 	snop  }
0x90: {  	s2 =	sld [smem:$0x3FD0];
	(tm) =	ssettm $0x1  }
0x91: {  	s18 =	sld [smem:$0x3FFB];
	_ =	sdelay $0x3  }
0x92: {  	_ =	strace s18  }
0x93: {  	s3 =	sld [smem:$0x3FFC];
	_ =	sdelay $0x3  }
0x94: {  	_ =	strace s3  }
0x95: {  	s3 =	sld [smem:$0x3FFD];
	_ =	sdelay $0x3  }
0x96: {  	_ =	strace s3  }
0x97: {  	_ =	strace $0x8FFFFFFF  }
0x98: {  	s19 =	sld [smem:$0x3FDB];
	_ =	sdelay $0x1  }
0x99: {  	s4 =	simm.s32 $_scs_section_size  }
0x9a: {  	s5 =	simm.s32 $_size__tile_overlayer_lowered;
	s6 =	simm.s32 $_tile_overlayer_lowered  }
0x9b: {  	s22 =	simm.s32 $0x1BFF;
	s21 =	sshll.u32 s6, $0x1;
	s3 =	sadd.s32 s4, s19  }
0x9c: {  	s7 =	simm.s32 $0x0;
	s20 =	sshll.u32 s5, $0x1;
	s5 =	sadd.s32 s21, s3  }
0x9d: {  	[timem:s7], [sflag:s22] =	dma.local [hbm:s5], s20  }
0x9e: {  	_ =	swait.ge [sflag:s22], s20  }
0x9f: {  	s4 =	ssub.s32 $0x0, s20;
	[sflag:s22] =	ssyncset.done $0x0  }
0xa0: {  	[sflag:s22] =	ssyncadd.s32 s4;
	_ =	sdelay $0x1  }
0xa1: {  	s23 =	simm.s32 $0x1B8B  }
0xa2: {  	_ =	swait.ge [sflag:s23], $0x1  }
0xa3: {  	[sflag:s23] =	ssyncset.done $0x0  }
0xa4: {  	s25 =	simm.s32 $0x1B8E;
	s24 =	sld [smem:$0x3FFE];
	[sflag:s23] =	ssyncadd.s32 $0xFFFFFFFF  }
0xa5: {  	s26 =	simm.s32 $execute0_lowered;
	[smem:$0x3FD2] =	sst s25  }
0xa6: {  	s5 =	sshll.u32 s26, $0x1;
	_ =	strace $0x80000046;
	[dreg:$0x1] =	wrdreg $0xFFFFFFFF  }
0xa7: {  	s28 =	simm.s32 $_size_execute0_lowered;
	s3 =	sadd.s32 s3, s5;
	[dreg:$0x0] =	wrdreg $0x0  }
0xa8: {  	s5 =	sshll.u32 s28, $0x1;
	[dreg:$0x2] =	wrdreg s3  }
0xa9: {  	[dreg:$0x3] =	wrdreg s5  }
0xaa: {  	[dreg:$0x4] =	wrdreg $0xC0  }
0xab: {  	_ =	task [dreg:s7], $0x5FFFF  }
0xac: {  	[dreg:$0x1] =	wrdreg $0xFFFFFFFF  }
0xad: {  	[dreg:$0x0] =	wrdreg $0x60  }
0xae: {  	[dreg:$0x2] =	wrdreg s2  }
0xaf: {  	[dreg:$0x3] =	wrdreg s24  }
0xb0: {  	[dreg:$0x4] =	wrdreg $0x68000  }
0xb1: {  	[dreg:$0x5] =	wrdreg $0x9  }
0xb2: {  	_ =	task.clear_ibuf [dreg:s7], $0x6FFFF;
	_ =	strace $0x90000046  }
0xb3: {  	s29 =	simm.s32 $0x9;
	_ =	strace $0x80000048  }
0xb4: {  	_ =	swait.ge [sflag:s29], $0x1  }
0xb5: {  	[sflag:s29] =	ssyncadd.s32 $0xFFFFFFFF  }
0xb6: {  	_ =	strace $0x90000048  }
0xb7: {  	_ =	sfence  }
0xb8: {  	s30 =	sld [smem:$0x0];
	_ =	sdelay $0x2  }
0xb9: {  	s31 =	sshll.u32 s1, $0xD;
	s1 =	sshrl.u32 s1, $0x2  }
0xba: {  	s3 =	sand.u32 $0x4000, s31;
	s1 =	sadd.s32 s1, s30  }
0xbb: {  	s0 =	sor.u32 s3, s0;
	s1 =	sshll.u32 s1, $0x11  }
0xbc: {  	s0 =	sor.u32 s1, s0  }
0xbd: {  	s0 =	sadd.s32 $0x8F2B, s0  }
0xbe: {  	[sflag:s0] =	ssyncadd.remote.s32 $0x1  }
0xbf: {  	_ =	sfence.sel $0xFFFF  }
0xc0: {  	[dreg:$0x0] =	wrdreg $0xFFFFFFFF;
	(pc) =	sbr.abs _section_cstart, $3  }
0xc1: {  	[dreg:$0x1] =	wrdreg $0xFFFFFFFF  }
0xc2: {  	_ =	task.clear_ibuf [dreg:s7], $0x2FFFF;
	_ =	strace $0x9FFFFFFF  }
0xc3: {  	(tm) =	ssettm $0x7FFFFFFF  }
tec
execute0_lowered:
.L_overlay_start_1:
0x0: {  	(tag) =	ssettag $0x1  }
0x1: {  	s4 =	rddreg [dreg:$0x0]  }
0x2: {  	s5 =	rddreg [dreg:$0x1];
	s0 =	srdreg.scid  }
0x3: {  	s2 =	rddreg [dreg:$0x2];
	s1 =	stileid.u32  }
0x4: {  	s3 =	simm.s32 $0x0;
	s13 =	simm.s32 $0x1;
	s14 =	simm.s32 $0x2800  }
0x5: {  	s15 =	simm.s32 $0x80;
	s18 =	simm.s32 $0x0;
	s7 =	smul.u32 $0x14000, s1  }
0x6: {  	s8 =	sand.u32 $0x1, s0;
	s0 =	rddreg [dreg:$0x3];
	s30 =	smul.u32 $0x50000, s1  }
0x7: {  	[smem:$0x7FF] =	sst s3;
	s10 =	smul.u32 $0x500, s1;
	s16 =	sshll.u32 s1, $0x6  }
0x8: {  	s6 =	smul.u32 $0x140000, s8;
	_ =	strace $0x80000047;
	s9 =	ssub.s32 $0x2, s8  }
0x9: {  	s12 =	smul.u32 $0x5000, s8;
	s16 =	sor.u32 $0x1C01, s16;
	s31 =	sshrl.u32 s9, $0x1  }
0xa: {  	s4 =	sadd.s32 s4, s10;
	s6 =	sadd.s32 s7, s6;
	s7 =	sshrl.u32 s30, $0x2  }
0xb: {  	s9 =	ssub.s32 s9, s31;
	s12 =	sshrl.u32 s12, $0x2;
	s6 =	sshrl.u32 s6, $0x3  }
0xc: {  	s6 =	sadd.s32 s6, s5;
	s5 =	sadd.s32 s7, s2;
	s7 =	smax.u32 s9, $0x1  }
0xd: {  	s6 =	sadd.s32 $0x3800, s6;
	s8 =	sadd.s32 $0x4000, s5;
	s9 =	sadd.s32 $0x8000, s5  }
0xe: {  	v0 =	vimm.f32 $0.0e+00;
	v1 =	vimm.f32 $1.000000000e+00;
	s10 =	sadd.s32 $0xC000, s5;
	s11 =	sadd.s32 $0x10000, s5;
	s17 =	sshrl.u32 s5, $0x3  }
.LBB2_1:
0xf: {  	[tilespmem:s3], [sflag:$0x1] =	stream.linear.gather [hbm4b:s4+s3], $0x2800, $0x38;
	[tilespmem:$0x1A800] =	vst v63  }
0x10: {  	_ =	swait.ge [sflag:s13], $0x2800  }
0x11: {  	[sflag:s13] =	ssyncset.done $0x0  }
0x12: {  	s19 =	simm.s32 $0x0;
	s20 =	simm.s32 $0x200;
	[sflag:s13] =	ssyncadd.s32 $0xFFFFD800  }
.LBB2_2:
0x13: {  	p0 =	sne.s32 s20, $0xFE00;
	[tilespmem:s19+$0x2870] =	vst v0  }
0x14: {  	[tilespmem:s19+$0x2800] =	vst v0  }
0x15: {  	[tilespmem:s19+$0x2810] =	vst v0  }
.Ltmp0:
0x16: {  	[tilespmem:s19+$0x2820] =	vst v0;
	(pc) =	sbr.rel @p0 .LBB2_2-.Ltmp0, $4  }
0x17: {  	[tilespmem:s19+$0x2830] =	vst v0  }
0x18: {  	[tilespmem:s19+$0x2840] =	vst v0  }
0x19: {  	[tilespmem:s19+$0x2850] =	vst v0  }
0x1a: {  	[tilespmem:s19+$0x2860] =	vst v0;
	s19 =	sshra.s32 s20, $0x2;
	s20 =	sadd.s32 $0x200, s20  }
0x1b: {  	[tilespmem:s19+$0x2870] =	vst v0  }
0x1c: {  	[tilespmem:s19+$0x2800] =	vst v0  }
0x1d: {  	[tilespmem:s19+$0x2810] =	vst v0  }
0x1e: {  	[tilespmem:s19+$0x2820] =	vst v0  }
0x1f: {  	[tilespmem:s19+$0x2830] =	vst v0  }
0x20: {  	[tilespmem:s19+$0x2840] =	vst v0  }
0x21: {  	[tilespmem:s19+$0x2850] =	vst v0  }
0x22: {  	[tilespmem:s19+$0x2860] =	vst v0  }
0x23: {  	[spmem:s5] =	stream.linear.scatter [tilespmem:s14], [sflag:$0x1], $0x4000, $0x38;
	[tilespmem:$0x1A800] =	vst v63  }
0x24: {  	_ =	swait.ge [sflag:s13], $0x4000  }
0x25: {  	[sflag:s13] =	ssyncset.done $0x0  }
0x26: {  	[sflag:s13] =	ssyncadd.s32 $0xFFFFC000  }
0x27: {  	[spmem:s8] =	stream.linear.scatter [tilespmem:s14], [sflag:$0x1], $0x4000, $0x38;
	[tilespmem:$0x1A800] =	vst v63  }
0x28: {  	_ =	swait.ge [sflag:s13], $0x4000  }
0x29: {  	[sflag:s13] =	ssyncset.done $0x0  }
0x2a: {  	[sflag:s13] =	ssyncadd.s32 $0xFFFFC000  }
0x2b: {  	[spmem:s9] =	stream.linear.scatter [tilespmem:s14], [sflag:$0x1], $0x4000, $0x38;
	[tilespmem:$0x1A800] =	vst v63  }
0x2c: {  	_ =	swait.ge [sflag:s13], $0x4000  }
0x2d: {  	[sflag:s13] =	ssyncset.done $0x0  }
0x2e: {  	[sflag:s13] =	ssyncadd.s32 $0xFFFFC000  }
0x2f: {  	[spmem:s10] =	stream.linear.scatter [tilespmem:s14], [sflag:$0x1], $0x4000, $0x38;
	[tilespmem:$0x1A800] =	vst v63  }
0x30: {  	_ =	swait.ge [sflag:s13], $0x4000  }
0x31: {  	[sflag:s13] =	ssyncset.done $0x0  }
0x32: {  	[sflag:s13] =	ssyncadd.s32 $0xFFFFC000  }
0x33: {  	[spmem:s11] =	stream.linear.scatter [tilespmem:s14], [sflag:$0x1], $0x4000, $0x38;
	[tilespmem:$0x1A800] =	vst v63  }
0x34: {  	_ =	swait.ge [sflag:s13], $0x4000  }
0x35: {  	[sflag:s13] =	ssyncset.done $0x0  }
0x36: {  	s19 =	simm.s32 $0x0;
	s20 =	simm.s32 $0x200;
	[sflag:s13] =	ssyncadd.s32 $0xFFFFC000  }
.LBB2_4:
0x37: {  	p0 =	sne.s32 s20, $0xFE00;
	[tilespmem:s19+$0x2870] =	vst v1  }
0x38: {  	[tilespmem:s19+$0x2800] =	vst v1  }
0x39: {  	[tilespmem:s19+$0x2810] =	vst v1  }
.Ltmp1:
0x3a: {  	[tilespmem:s19+$0x2820] =	vst v1;
	(pc) =	sbr.rel @p0 .LBB2_4-.Ltmp1, $4  }
0x3b: {  	[tilespmem:s19+$0x2830] =	vst v1  }
0x3c: {  	[tilespmem:s19+$0x2840] =	vst v1  }
0x3d: {  	[tilespmem:s19+$0x2850] =	vst v1  }
0x3e: {  	[tilespmem:s19+$0x2860] =	vst v1;
	s19 =	sshra.s32 s20, $0x2;
	s20 =	sadd.s32 $0x200, s20  }
0x3f: {  	[tilespmem:s19+$0x2870] =	vst v1  }
0x40: {  	[tilespmem:s19+$0x2800] =	vst v1  }
0x41: {  	[tilespmem:s19+$0x2810] =	vst v1  }
0x42: {  	[tilespmem:s19+$0x2820] =	vst v1  }
0x43: {  	[tilespmem:s19+$0x2830] =	vst v1  }
0x44: {  	[tilespmem:s19+$0x2840] =	vst v1  }
0x45: {  	[tilespmem:s19+$0x2850] =	vst v1  }
0x46: {  	[tilespmem:s19+$0x2860] =	vst v1  }
0x47: {  	s31 =	sadd.s32 $0x0, s12;
	[bflag:$0x0] =	sbarrier.arrive $0xFFFF  }
0x48: {  	[spmem:s2] =	stream.indirect.scatter.add.f32 [tilespmem:s14], [sflag:$0x1], $0x80, s31, s15, $0xb8;
	[tilespmem:$0x1A800] =	vst v63  }
0x49: {  	s19 =	simm.s32 $0x200;
	_ =	swait.ge [sflag:s13], $0x4000  }
.LBB2_6:
0x4a: {  	s20 =	sshra.s32 s19, $0x2;
	[sflag:s13] =	ssyncset.done $0x0;
	p0 =	sne.s32 s19, $0x4E00  }
.Ltmp2:
0x4b: {  	s20 =	sadd.s32 s20, s12;
	[sflag:s13] =	ssyncadd.s32 $0xFFFFC000;
	(pc) =	sbr.rel @p0 .LBB2_6-.Ltmp2, $3  }
0x4c: {  	[spmem:s2] =	stream.indirect.scatter.add.f32 [tilespmem:s14], [sflag:$0x1], $0x80, s20, s15, $0xb8;
	[tilespmem:$0x1A800] =	vst v63  }
0x4d: {  	s19 =	sadd.s32 $0x200, s19;
	_ =	sdelay $0x1  }
0x4e: {  	_ =	swait.ge [sflag:s13], $0x4000  }
0x4f: {  	[sflag:s13] =	ssyncset.done $0x0;
	s18 =	sadd.s32 $0x1, s18  }
0x50: {  	[sflag:s13] =	ssyncadd.s32 $0xFFFFC000;
	p0 =	sne.s32 s18, s7  }
.Ltmp3:
0x51: {  	[bflag:$0x0] =	sbarrier.arrive $0xFFFF;
	(pc) =	sbr.rel @p0 .LBB2_1-.Ltmp3, $4  }
0x52: {  	[hbm:s6], [sflag:s16] =	dma.local [spmem:s17], $0x2800  }
0x53: {  	_ =	swait.ge [sflag:s13], $0x2800  }
0x54: {  	[sflag:s13] =	ssyncset.done $0x0  }
0x55: {  	[sflag:s13] =	ssyncadd.s32 $0xFFFFD800  }
0x56: {  	_ =	sfence.sel $0x180000  }
0x57: {  	[bflag:$0x0] =	sbarrier.arrive $0xFFFF  }
0x58: {  	p0 =	sne.s32 s1, $0x0;
	_ =	strace $0x90000047  }
0x59: {  	s0 =	sadd.s32 @!p0 $0x100000, s0;
	[bflag:$0x2] =	sbarrier.arrive $0xFFFF  }
0x5a: {  	[sflag:s0] =	ssyncadd.tile.s32 @!p0 $0x1;
	_ =	shalt  }
.Lfunc_end2:
_tile_overlayer_lowered:
.L_overlay_start_2:
0x5b: {  	(tag) =	ssettag $0x2  }
0x5c: {  	s0 =	rddreg [dreg:$0x0];
	s2 =	stileid.u32  }
0x5d: {  	s1 =	rddreg [dreg:$0x1];
	p0 =	sne.s32 s2, $0x0  }
0x5e: {  	s3 =	rddreg [dreg:$0x2];
	[bflag:$0x3] =	sbarrier.arrive $0xFFFF;
	s2 =	simm.s32 @!p0 $0x1C01  }
0x5f: {  	[timem:s3], [sflag:s2] =	dma.local @!p0 [hbm:s0], s1  }
0x60: {  	s0 =	simm.s32 @!p0 $0x1  }
0x61: {  	_ =	swait.ge @!p0 [sflag:s0], s1  }
0x62: {  	s1 =	ssub.s32 @!p0 $0x0, s1;
	[sflag:s0] =	ssyncset.done @!p0 $0x0  }
0x63: {  	[sflag:s0] =	ssyncadd.s32 @!p0 s1  }
0x64: {  	[bflag:$0x3] =	sbarrier.arrive $0xFFFF  }
0x65: {  	_ =	shalt  }

</sc_bundles>
